<compile_context>
chip_gen: v7x
topology: tpu7x:2x2x1
jax: 0.10.2.dev20260603
libtpu: 0.0.44.dev20260713+nightly
codegen_flags: <defaults>
</compile_context>

<pallas_src>
import functools

import jax
import jax.numpy as jnp
from jax import lax
from jax.experimental import pallas as pl
from jax.experimental.pallas import tpu as pltpu
from jax.experimental.pallas import tpu_sc as plsc

N = 10000
D = 128
DH = D // 2
E = 320000

NC = 2
NS = 16
CHUNK = 128
C_PER_T = 160
B_IDX = 40
NBLK = C_PER_T // B_IDX
E_PAD = NS * C_PER_T * CHUNK
N_PAD = 10240
ROWS_PER_TILE = N_PAD // NS
WCHUNKS = ROWS_PER_TILE // CHUNK
NBUF = 4
CROWS = 632


def _sc_segment_sum(x_a, srcs, dsts, zrows):
    mesh = plsc.VectorSubcoreMesh(
        core_axis_name="c", subcore_axis_name="s", num_cores=NC, num_subcores=NS
    )

    @functools.partial(
        pl.kernel,
        out_type=jax.ShapeDtypeStruct((NC, N_PAD, DH), jnp.float32),
        mesh=mesh,
        compiler_params=pltpu.CompilerParams(use_tc_tiling_on_sc=False),
        scratch_types=[
            pltpu.VMEM((B_IDX, CHUNK), jnp.int32),
            pltpu.VMEM((B_IDX, CHUNK), jnp.int32),
            [pltpu.VMEM((CHUNK, DH), jnp.float32) for _ in range(NBUF)],
            pltpu.MemorySpace.VMEM_SHARED((N, DH), jnp.float32),
            pltpu.MemorySpace.VMEM_SHARED((N_PAD, DH), jnp.float32),
            [pltpu.SemaphoreType.DMA for _ in range(NBUF)],
            [pltpu.SemaphoreType.DMA for _ in range(NBUF)],
        ],
    )
    def sc_kernel(xa_hbm, src_hbm, dst_hbm, z_hbm, out_hbm,
                  idx_s, idx_d, rows, x_cache, agg_sh, gsem, ssem):
        c = lax.axis_index("c")
        s = lax.axis_index("s")

        @pl.when(s < NS - 1)
        def _():
            pltpu.sync_copy(xa_hbm.at[pl.ds(s * CROWS, CROWS), pl.ds(c * DH, DH)],
                            x_cache.at[pl.ds(s * CROWS, CROWS)])

        @pl.when(s == NS - 1)
        def _():
            pltpu.sync_copy(xa_hbm.at[pl.ds((NS - 1) * CROWS, N - (NS - 1) * CROWS),
                                      pl.ds(c * DH, DH)],
                            x_cache.at[pl.ds((NS - 1) * CROWS, N - (NS - 1) * CROWS)])

        pltpu.sync_copy(z_hbm, rows[0])
        for k in range(WCHUNKS):
            pltpu.sync_copy(rows[0], agg_sh.at[pl.ds(s * ROWS_PER_TILE + k * CHUNK, CHUNK)])
        plsc.subcore_barrier()

        def blk_body(gblk, carry):
            pltpu.sync_copy(src_hbm.at[s, gblk], idx_s)
            pltpu.sync_copy(dst_hbm.at[s, gblk], idx_d)

            def body(g, carry2):
                base = g * NBUF
                descs = []
                for r in range(NBUF):
                    descs.append(pltpu.async_copy(
                        x_cache.at[idx_s.at[base + r]], rows[r], gsem[r]))
                sdescs = []
                for r in range(NBUF):
                    descs[r].wait()
                    sdescs.append(pltpu.async_copy(
                        rows[r], agg_sh.at[idx_d.at[base + r]], ssem[r], add=True))
                for r in range(NBUF):
                    sdescs[r].wait()
                return carry2

            lax.fori_loop(0, B_IDX // NBUF, body, 0)
            return carry

        lax.fori_loop(0, NBLK, blk_body, 0)
        plsc.subcore_barrier()

        for k in range(WCHUNKS):
            off = s * ROWS_PER_TILE + k * CHUNK
            pltpu.sync_copy(agg_sh.at[pl.ds(off, CHUNK)], rows[k % NBUF])
            pltpu.sync_copy(rows[k % NBUF], out_hbm.at[c, pl.ds(off, CHUNK)])

    return sc_kernel(x_a, srcs, dsts, zrows)


BLK = 1000


def _tc_body(p_ref, xa_ref, wl_ref, wc_ref, wf_ref, b1_ref, bf_ref, o_ref):
    xa = xa_ref[...]
    wl = wl_ref[...]
    t = (jnp.dot(p_ref[0], wl[:DH, :], preferred_element_type=jnp.float32)
         + jnp.dot(p_ref[1], wl[DH:, :], preferred_element_type=jnp.float32)
         + jnp.dot(xa, wc_ref[...], preferred_element_type=jnp.float32)
         + b1_ref[...])
    o_ref[...] = (jnp.dot(jnp.maximum(t, 0.0), wf_ref[...],
                          preferred_element_type=jnp.float32)
                  + bf_ref[...])


def _tc_fused(partials, x_a, wl_t, wc_t, wf_t, b1, bf):
    return pl.pallas_call(
        _tc_body,
        grid=(N // BLK,),
        in_specs=[
            pl.BlockSpec((NC, BLK, DH), lambda j: (0, j, 0)),
            pl.BlockSpec((BLK, D), lambda j: (j, 0)),
            pl.BlockSpec((D, D), lambda j: (0, 0)),
            pl.BlockSpec((D, D), lambda j: (0, 0)),
            pl.BlockSpec((D, D), lambda j: (0, 0)),
            pl.BlockSpec((1, D), lambda j: (0, 0)),
            pl.BlockSpec((1, D), lambda j: (0, 0)),
        ],
        out_specs=pl.BlockSpec((BLK, D), lambda j: (j, 0)),
        out_shape=jax.ShapeDtypeStruct((N, D), jnp.float32),
    )(partials, x_a, wl_t, wc_t, wf_t, b1, bf)


def kernel(x_A, x_B, edge_r0, edge_r1,
           Wl0, bl0, W00, b00, W10, b10,
           Wl1, bl1, W01, b01, W11, b11,
           Wm0, bm0, Wm1, bm1, Wout, bout):
    src = edge_r1[1]
    dst = edge_r1[0]
    pad = E_PAD - E
    srcs = jnp.concatenate([src, jnp.zeros((pad,), jnp.int32)])
    pad_dst = N + (jnp.arange(pad, dtype=jnp.int32) % (N_PAD - N))
    dsts = jnp.concatenate([dst, pad_dst])
    srcs = srcs.reshape(NS, NBLK, B_IDX, CHUNK)
    dsts = dsts.reshape(NS, NBLK, B_IDX, CHUNK)
    zrows = jnp.zeros((CHUNK, DH), jnp.float32)

    partials = _sc_segment_sum(x_A, srcs, dsts, zrows)

    eye = jnp.eye(D, dtype=jnp.float32)
    wl_t = Wl1.T
    wc_t = (W01 + W11).T + eye
    b1 = (bl1 + b01 + b11).reshape(1, D)
    wf_t = (Wout @ Wm1).T
    bf = (bm1 @ Wout.T + bout).reshape(1, D)

    return _tc_fused(partials, x_A, wl_t, wc_t, wf_t, b1, bf)

# --- scband reference (transcript-rebuilt; emitter-appended) ---
"""Pipeline reference for scband-meta-path-gnn-26207890440690 (READ-ONLY COPY).

The authoritative reference and input builder live on the scoring server;
editing this copy changes nothing except your own understanding.
"""

import jax, jax.numpy as jnp
import numpy as np

N = 10000
E = 320000
D = 128

def setup_inputs(seed: int = 0) -> dict:
    key = jax.random.key(seed)
    ks = jax.random.split(key, 24)
    def W(k):
        return jax.random.normal(k, (D, D), jnp.float32) * 0.02
    def b(k):
        return jax.random.normal(k, (D,), jnp.float32) * 0.02
    inp = {}
    inp['x_A'] = jax.random.normal(ks[0], (N, D), jnp.float32)
    inp['x_B'] = jax.random.normal(ks[1], (N, D), jnp.float32)
    inp['edge_r0'] = jax.random.randint(ks[2], (2, E), 0, N, dtype=jnp.int32)
    inp['edge_r1'] = jax.random.randint(ks[3], (2, E), 0, N, dtype=jnp.int32)
    # layer 0 (conv for relation r0): w_l, w_0, w_1
    inp['Wl0'], inp['bl0'] = W(ks[4]), b(ks[5])
    inp['W00'], inp['b00'] = W(ks[6]), b(ks[7])
    inp['W10'], inp['b10'] = W(ks[8]), b(ks[9])
    # layer 1 (conv for relation r1)
    inp['Wl1'], inp['bl1'] = W(ks[10]), b(ks[11])
    inp['W01'], inp['b01'] = W(ks[12]), b(ks[13])
    inp['W11'], inp['b11'] = W(ks[14]), b(ks[15])
    # per-layer mlp (Linear(hidden, hidden)); undefined in the torch __init__, materialized here
    inp['Wm0'], inp['bm0'] = W(ks[16]), b(ks[17])
    inp['Wm1'], inp['bm1'] = W(ks[18]), b(ks[19])
    # out_proj
    inp['Wout'], inp['bout'] = W(ks[20]), b(ks[21])
    return inp


def reference(x_A, x_B, edge_r0, edge_r1,
              Wl0, bl0, W00, b00, W10, b10,
              Wl1, bl1, W01, b01, W11, b11,
              Wm0, bm0, Wm1, bm1, Wout, bout):
    # metapath = [(A, r0, B), (B, r1, A)]; processed in reversed order.
    h_A, h_B = x_A, x_B
    # i=0: (B, r1, A), conv_idx = 1, dst = A
    # MetaPathGNNLayer with flow='target_to_source', aggr='add':
    #   gather x_j = h[edge_index[1]], scatter-add at edge_index[0]
    agg = jax.ops.segment_sum(jnp.take(h_A, edge_r1[1], axis=0), edge_r1[0], num_segments=N)
    h_dst = (agg @ Wl1.T + bl1) + (h_A @ W01.T + b01) + (h_A @ W11.T + b11)
    h_A = jax.nn.relu(h_dst + h_A) @ Wm1.T + bm1
    # i=1: (A, r0, B), conv_idx = 0, dst = B
    agg = jax.ops.segment_sum(jnp.take(h_B, edge_r0[1], axis=0), edge_r0[0], num_segments=N)
    h_dst = (agg @ Wl0.T + bl0) + (h_B @ W00.T + b00) + (h_B @ W10.T + b10)
    h_B = jax.nn.relu(h_dst + h_B) @ Wm0.T + bm0
    # start_type = 'A'
    return h_A @ Wout.T + bout

if __name__ == "__main__":
    import jax
    _d = setup_inputs()
    print(jax.jit(kernel)(*tuple(_d.values())))

</pallas_src>

<mosaic_0001>
#map = affine_map<(d0, d1) -> (0, 0)>
#map1 = affine_map<(d0, d1) -> (0, 0, 0, 0)>
#map2 = affine_map<(d0, d1) -> (0, 0, 0)>
module attributes {stable_mosaic.version = 14 : i64} {
  func.func @sc_kernel(%arg0: i32, %arg1: i32, %arg2: memref<10000x128xf32, #tpu.memory_space<hbm>>, %arg3: memref<16x4x40x128xi32, #tpu.memory_space<hbm>>, %arg4: memref<16x4x40x128xi32, #tpu.memory_space<hbm>>, %arg5: memref<128x64xf32, #tpu.memory_space<hbm>>, %arg6: memref<2x10240x64xf32, #tpu.memory_space<hbm>>, %arg7: memref<40x128xi32, #tpu.memory_space<vmem>>, %arg8: memref<40x128xi32, #tpu.memory_space<vmem>>, %arg9: memref<128x64xf32, #tpu.memory_space<vmem>>, %arg10: memref<128x64xf32, #tpu.memory_space<vmem>>, %arg11: memref<128x64xf32, #tpu.memory_space<vmem>>, %arg12: memref<128x64xf32, #tpu.memory_space<vmem>>, %arg13: memref<10000x64xf32, #tpu.memory_space<vmem_shared>>, %arg14: memref<10240x64xf32, #tpu.memory_space<vmem_shared>>, %arg15: memref<!tpu.dma_semaphore, #tpu.memory_space<semaphore_mem>>, %arg16: memref<!tpu.dma_semaphore, #tpu.memory_space<semaphore_mem>>, %arg17: memref<!tpu.dma_semaphore, #tpu.memory_space<semaphore_mem>>, %arg18: memref<!tpu.dma_semaphore, #tpu.memory_space<semaphore_mem>>, %arg19: memref<!tpu.dma_semaphore, #tpu.memory_space<semaphore_mem>>, %arg20: memref<!tpu.dma_semaphore, #tpu.memory_space<semaphore_mem>>, %arg21: memref<!tpu.dma_semaphore, #tpu.memory_space<semaphore_mem>>, %arg22: memref<!tpu.dma_semaphore, #tpu.memory_space<semaphore_mem>>) attributes {dimension_semantics = [#tpu.dimension_semantics<core_parallel>, #tpu.dimension_semantics<subcore_parallel>], iteration_bounds = array<i64: 2, 16>, scalar_prefetch = 0 : i64, scratch_operands = 16 : i64, tpu.core_type = #tpu.core_type<sc_vector_subcore>, window_params = [{transform_indices = #map}, {transform_indices = #map1}, {transform_indices = #map1}, {transform_indices = #map}, {transform_indices = #map2}]} {
    %lt3A = arith.constant 15 : i32
    %lt3A_0 = arith.cmpi slt, %arg1, %lt3A : i32
    %convert_element_type3A = arith.extui %lt3A_0 : i1 to i32
    %cond3A = arith.constant 0 : i32
    %cond3A_1 = arith.cmpi ne, %convert_element_type3A, %cond3A : i32
    scf.if %cond3A_1 {
      %mul3A_50 = arith.constant 632 : i32
      %mul3A_51 = arith.muli %arg1, %mul3A_50 : i32
      %mul3A_52 = arith.constant 64 : i32
      %mul3A_53 = arith.muli %arg0, %mul3A_52 : i32
      %mul3A_54 = arith.constant 632 : i32
      %mul3A_55 = arith.muli %arg1, %mul3A_54 : i32
      "tpu.region"() ({
        %run_scoped3A = tpu.sem_alloc : memref<!tpu.dma_semaphore, #tpu.memory_space<semaphore_mem>>
        %dma_start3A = arith.constant 0 : i32
        %dma_start3A_56 = tpu.memref_slice %arg13[%mul3A_55, %dma_start3A] : memref<10000x64xf32, #tpu.memory_space<vmem_shared>> -> memref<632x64xf32, #tpu.memory_space<vmem_shared>>
        %dma_start3A_57 = tpu.memref_slice %arg2[%mul3A_51, %mul3A_53] : memref<10000x128xf32, #tpu.memory_space<hbm>> -> memref<632x64xf32, #tpu.memory_space<hbm>>
        tpu.enqueue_dma source(%dma_start3A_57 : memref<632x64xf32, #tpu.memory_space<hbm>>) target(%dma_start3A_56 : memref<632x64xf32, #tpu.memory_space<vmem_shared>>) target_semaphore(%run_scoped3A : memref<!tpu.dma_semaphore, #tpu.memory_space<semaphore_mem>>)
        %dma_wait3A = arith.constant 0 : i32
        %dma_wait3A_58 = tpu.memref_slice %arg13[%mul3A_55, %dma_wait3A] : memref<10000x64xf32, #tpu.memory_space<vmem_shared>> -> memref<632x64xf32, #tpu.memory_space<vmem_shared>>
        %dma_wait3A_59 = tpu.memref_slice %arg2[%mul3A_51, %mul3A_53] : memref<10000x128xf32, #tpu.memory_space<hbm>> -> memref<632x64xf32, #tpu.memory_space<hbm>>
        tpu.wait_dma2 semaphore(%run_scoped3A : memref<!tpu.dma_semaphore, #tpu.memory_space<semaphore_mem>>) src(%dma_wait3A_59 : memref<632x64xf32, #tpu.memory_space<hbm>>) dst(%dma_wait3A_58 : memref<632x64xf32, #tpu.memory_space<vmem_shared>>)
        tpu.yield
      }) : () -> ()
    } else {
    }
    %eq3A = arith.constant 15 : i32
    %eq3A_2 = arith.cmpi eq, %arg1, %eq3A : i32
    %convert_element_type3A_3 = arith.extui %eq3A_2 : i1 to i32
    %cond3A_4 = arith.constant 0 : i32
    %cond3A_5 = arith.cmpi ne, %convert_element_type3A_3, %cond3A_4 : i32
    scf.if %cond3A_5 {
      %mul3A_50 = arith.constant 64 : i32
      %mul3A_51 = arith.muli %arg0, %mul3A_50 : i32
      "tpu.region"() ({
        %run_scoped3A = tpu.sem_alloc : memref<!tpu.dma_semaphore, #tpu.memory_space<semaphore_mem>>
        %dma_start3A = arith.constant 9480 : i32
        %dma_start3A_52 = arith.constant 0 : i32
        %dma_start3A_53 = tpu.memref_slice %arg13[%dma_start3A, %dma_start3A_52] : memref<10000x64xf32, #tpu.memory_space<vmem_shared>> -> memref<520x64xf32, #tpu.memory_space<vmem_shared>>
        %dma_start3A_54 = arith.constant 9480 : i32
        %dma_start3A_55 = tpu.memref_slice %arg2[%dma_start3A_54, %mul3A_51] : memref<10000x128xf32, #tpu.memory_space<hbm>> -> memref<520x64xf32, #tpu.memory_space<hbm>>
        tpu.enqueue_dma source(%dma_start3A_55 : memref<520x64xf32, #tpu.memory_space<hbm>>) target(%dma_start3A_53 : memref<520x64xf32, #tpu.memory_space<vmem_shared>>) target_semaphore(%run_scoped3A : memref<!tpu.dma_semaphore, #tpu.memory_space<semaphore_mem>>)
        %dma_wait3A = arith.constant 9480 : i32
        %dma_wait3A_56 = arith.constant 0 : i32
        %dma_wait3A_57 = tpu.memref_slice %arg13[%dma_wait3A, %dma_wait3A_56] : memref<10000x64xf32, #tpu.memory_space<vmem_shared>> -> memref<520x64xf32, #tpu.memory_space<vmem_shared>>
        %dma_wait3A_58 = arith.constant 9480 : i32
        %dma_wait3A_59 = tpu.memref_slice %arg2[%dma_wait3A_58, %mul3A_51] : memref<10000x128xf32, #tpu.memory_space<hbm>> -> memref<520x64xf32, #tpu.memory_space<hbm>>
        tpu.wait_dma2 semaphore(%run_scoped3A : memref<!tpu.dma_semaphore, #tpu.memory_space<semaphore_mem>>) src(%dma_wait3A_59 : memref<520x64xf32, #tpu.memory_space<hbm>>) dst(%dma_wait3A_57 : memref<520x64xf32, #tpu.memory_space<vmem_shared>>)
        tpu.yield
      }) : () -> ()
    } else {
    }
    "tpu.region"() ({
      %run_scoped3A = tpu.sem_alloc : memref<!tpu.dma_semaphore, #tpu.memory_space<semaphore_mem>>
      tpu.enqueue_dma source(%arg5 : memref<128x64xf32, #tpu.memory_space<hbm>>) target(%arg9 : memref<128x64xf32, #tpu.memory_space<vmem>>) target_semaphore(%run_scoped3A : memref<!tpu.dma_semaphore, #tpu.memory_space<semaphore_mem>>)
      tpu.wait_dma2 semaphore(%run_scoped3A : memref<!tpu.dma_semaphore, #tpu.memory_space<semaphore_mem>>) src(%arg5 : memref<128x64xf32, #tpu.memory_space<hbm>>) dst(%arg9 : memref<128x64xf32, #tpu.memory_space<vmem>>)
      tpu.yield
    }) : () -> ()
    %mul3A = arith.constant 640 : i32
    %mul3A_6 = arith.muli %arg1, %mul3A : i32
    %add3A = arith.constant 0 : i32
    %add3A_7 = arith.addi %mul3A_6, %add3A : i32
    "tpu.region"() ({
      %run_scoped3A = tpu.sem_alloc : memref<!tpu.dma_semaphore, #tpu.memory_space<semaphore_mem>>
      %dma_start3A = arith.constant 0 : i32
      %dma_start3A_50 = tpu.memref_slice %arg14[%add3A_7, %dma_start3A] : memref<10240x64xf32, #tpu.memory_space<vmem_shared>> -> memref<128x64xf32, #tpu.memory_space<vmem_shared>>
      %dma_start3A_51 = arith.constant 0 : i32
      %dma_start3A_52 = tpu.memref_slice %arg14[%add3A_7, %dma_start3A_51] : memref<10240x64xf32, #tpu.memory_space<vmem_shared>> -> memref<128x64xf32, #tpu.memory_space<vmem_shared>>
      tpu.enqueue_dma source(%arg9 : memref<128x64xf32, #tpu.memory_space<vmem>>) target(%dma_start3A_52 : memref<128x64xf32, #tpu.memory_space<vmem_shared>>) target_semaphore(%run_scoped3A : memref<!tpu.dma_semaphore, #tpu.memory_space<semaphore_mem>>)
      %dma_wait3A = arith.constant 0 : i32
      %dma_wait3A_53 = tpu.memref_slice %arg14[%add3A_7, %dma_wait3A] : memref<10240x64xf32, #tpu.memory_space<vmem_shared>> -> memref<128x64xf32, #tpu.memory_space<vmem_shared>>
      %dma_wait3A_54 = arith.constant 0 : i32
      %dma_wait3A_55 = tpu.memref_slice %arg14[%add3A_7, %dma_wait3A_54] : memref<10240x64xf32, #tpu.memory_space<vmem_shared>> -> memref<128x64xf32, #tpu.memory_space<vmem_shared>>
      tpu.wait_dma2 semaphore(%run_scoped3A : memref<!tpu.dma_semaphore, #tpu.memory_space<semaphore_mem>>) src(%arg9 : memref<128x64xf32, #tpu.memory_space<vmem>>) dst(%dma_wait3A_55 : memref<128x64xf32, #tpu.memory_space<vmem_shared>>)
      tpu.yield
    }) : () -> ()
    %mul3A_8 = arith.constant 640 : i32
    %mul3A_9 = arith.muli %arg1, %mul3A_8 : i32
    %add3A_10 = arith.constant 128 : i32
    %add3A_11 = arith.addi %mul3A_9, %add3A_10 : i32
    "tpu.region"() ({
      %run_scoped3A = tpu.sem_alloc : memref<!tpu.dma_semaphore, #tpu.memory_space<semaphore_mem>>
      %dma_start3A = arith.constant 0 : i32
      %dma_start3A_50 = tpu.memref_slice %arg14[%add3A_11, %dma_start3A] : memref<10240x64xf32, #tpu.memory_space<vmem_shared>> -> memref<128x64xf32, #tpu.memory_space<vmem_shared>>
      %dma_start3A_51 = arith.constant 0 : i32
      %dma_start3A_52 = tpu.memref_slice %arg14[%add3A_11, %dma_start3A_51] : memref<10240x64xf32, #tpu.memory_space<vmem_shared>> -> memref<128x64xf32, #tpu.memory_space<vmem_shared>>
      tpu.enqueue_dma source(%arg9 : memref<128x64xf32, #tpu.memory_space<vmem>>) target(%dma_start3A_52 : memref<128x64xf32, #tpu.memory_space<vmem_shared>>) target_semaphore(%run_scoped3A : memref<!tpu.dma_semaphore, #tpu.memory_space<semaphore_mem>>)
      %dma_wait3A = arith.constant 0 : i32
      %dma_wait3A_53 = tpu.memref_slice %arg14[%add3A_11, %dma_wait3A] : memref<10240x64xf32, #tpu.memory_space<vmem_shared>> -> memref<128x64xf32, #tpu.memory_space<vmem_shared>>
      %dma_wait3A_54 = arith.constant 0 : i32
      %dma_wait3A_55 = tpu.memref_slice %arg14[%add3A_11, %dma_wait3A_54] : memref<10240x64xf32, #tpu.memory_space<vmem_shared>> -> memref<128x64xf32, #tpu.memory_space<vmem_shared>>
      tpu.wait_dma2 semaphore(%run_scoped3A : memref<!tpu.dma_semaphore, #tpu.memory_space<semaphore_mem>>) src(%arg9 : memref<128x64xf32, #tpu.memory_space<vmem>>) dst(%dma_wait3A_55 : memref<128x64xf32, #tpu.memory_space<vmem_shared>>)
      tpu.yield
    }) : () -> ()
    %mul3A_12 = arith.constant 640 : i32
    %mul3A_13 = arith.muli %arg1, %mul3A_12 : i32
    %add3A_14 = arith.constant 256 : i32
    %add3A_15 = arith.addi %mul3A_13, %add3A_14 : i32
    "tpu.region"() ({
      %run_scoped3A = tpu.sem_alloc : memref<!tpu.dma_semaphore, #tpu.memory_space<semaphore_mem>>
      %dma_start3A = arith.constant 0 : i32
      %dma_start3A_50 = tpu.memref_slice %arg14[%add3A_15, %dma_start3A] : memref<10240x64xf32, #tpu.memory_space<vmem_shared>> -> memref<128x64xf32, #tpu.memory_space<vmem_shared>>
      %dma_start3A_51 = arith.constant 0 : i32
      %dma_start3A_52 = tpu.memref_slice %arg14[%add3A_15, %dma_start3A_51] : memref<10240x64xf32, #tpu.memory_space<vmem_shared>> -> memref<128x64xf32, #tpu.memory_space<vmem_shared>>
      tpu.enqueue_dma source(%arg9 : memref<128x64xf32, #tpu.memory_space<vmem>>) target(%dma_start3A_52 : memref<128x64xf32, #tpu.memory_space<vmem_shared>>) target_semaphore(%run_scoped3A : memref<!tpu.dma_semaphore, #tpu.memory_space<semaphore_mem>>)
      %dma_wait3A = arith.constant 0 : i32
      %dma_wait3A_53 = tpu.memref_slice %arg14[%add3A_15, %dma_wait3A] : memref<10240x64xf32, #tpu.memory_space<vmem_shared>> -> memref<128x64xf32, #tpu.memory_space<vmem_shared>>
      %dma_wait3A_54 = arith.constant 0 : i32
      %dma_wait3A_55 = tpu.memref_slice %arg14[%add3A_15, %dma_wait3A_54] : memref<10240x64xf32, #tpu.memory_space<vmem_shared>> -> memref<128x64xf32, #tpu.memory_space<vmem_shared>>
      tpu.wait_dma2 semaphore(%run_scoped3A : memref<!tpu.dma_semaphore, #tpu.memory_space<semaphore_mem>>) src(%arg9 : memref<128x64xf32, #tpu.memory_space<vmem>>) dst(%dma_wait3A_55 : memref<128x64xf32, #tpu.memory_space<vmem_shared>>)
      tpu.yield
    }) : () -> ()
    %mul3A_16 = arith.constant 640 : i32
    %mul3A_17 = arith.muli %arg1, %mul3A_16 : i32
    %add3A_18 = arith.constant 384 : i32
    %add3A_19 = arith.addi %mul3A_17, %add3A_18 : i32
    "tpu.region"() ({
      %run_scoped3A = tpu.sem_alloc : memref<!tpu.dma_semaphore, #tpu.memory_space<semaphore_mem>>
      %dma_start3A = arith.constant 0 : i32
      %dma_start3A_50 = tpu.memref_slice %arg14[%add3A_19, %dma_start3A] : memref<10240x64xf32, #tpu.memory_space<vmem_shared>> -> memref<128x64xf32, #tpu.memory_space<vmem_shared>>
      %dma_start3A_51 = arith.constant 0 : i32
      %dma_start3A_52 = tpu.memref_slice %arg14[%add3A_19, %dma_start3A_51] : memref<10240x64xf32, #tpu.memory_space<vmem_shared>> -> memref<128x64xf32, #tpu.memory_space<vmem_shared>>
      tpu.enqueue_dma source(%arg9 : memref<128x64xf32, #tpu.memory_space<vmem>>) target(%dma_start3A_52 : memref<128x64xf32, #tpu.memory_space<vmem_shared>>) target_semaphore(%run_scoped3A : memref<!tpu.dma_semaphore, #tpu.memory_space<semaphore_mem>>)
      %dma_wait3A = arith.constant 0 : i32
      %dma_wait3A_53 = tpu.memref_slice %arg14[%add3A_19, %dma_wait3A] : memref<10240x64xf32, #tpu.memory_space<vmem_shared>> -> memref<128x64xf32, #tpu.memory_space<vmem_shared>>
      %dma_wait3A_54 = arith.constant 0 : i32
      %dma_wait3A_55 = tpu.memref_slice %arg14[%add3A_19, %dma_wait3A_54] : memref<10240x64xf32, #tpu.memory_space<vmem_shared>> -> memref<128x64xf32, #tpu.memory_space<vmem_shared>>
      tpu.wait_dma2 semaphore(%run_scoped3A : memref<!tpu.dma_semaphore, #tpu.memory_space<semaphore_mem>>) src(%arg9 : memref<128x64xf32, #tpu.memory_space<vmem>>) dst(%dma_wait3A_55 : memref<128x64xf32, #tpu.memory_space<vmem_shared>>)
      tpu.yield
    }) : () -> ()
    %mul3A_20 = arith.constant 640 : i32
    %mul3A_21 = arith.muli %arg1, %mul3A_20 : i32
    %add3A_22 = arith.constant 512 : i32
    %add3A_23 = arith.addi %mul3A_21, %add3A_22 : i32
    "tpu.region"() ({
      %run_scoped3A = tpu.sem_alloc : memref<!tpu.dma_semaphore, #tpu.memory_space<semaphore_mem>>
      %dma_start3A = arith.constant 0 : i32
      %dma_start3A_50 = tpu.memref_slice %arg14[%add3A_23, %dma_start3A] : memref<10240x64xf32, #tpu.memory_space<vmem_shared>> -> memref<128x64xf32, #tpu.memory_space<vmem_shared>>
      %dma_start3A_51 = arith.constant 0 : i32
      %dma_start3A_52 = tpu.memref_slice %arg14[%add3A_23, %dma_start3A_51] : memref<10240x64xf32, #tpu.memory_space<vmem_shared>> -> memref<128x64xf32, #tpu.memory_space<vmem_shared>>
      tpu.enqueue_dma source(%arg9 : memref<128x64xf32, #tpu.memory_space<vmem>>) target(%dma_start3A_52 : memref<128x64xf32, #tpu.memory_space<vmem_shared>>) target_semaphore(%run_scoped3A : memref<!tpu.dma_semaphore, #tpu.memory_space<semaphore_mem>>)
      %dma_wait3A = arith.constant 0 : i32
      %dma_wait3A_53 = tpu.memref_slice %arg14[%add3A_23, %dma_wait3A] : memref<10240x64xf32, #tpu.memory_space<vmem_shared>> -> memref<128x64xf32, #tpu.memory_space<vmem_shared>>
      %dma_wait3A_54 = arith.constant 0 : i32
      %dma_wait3A_55 = tpu.memref_slice %arg14[%add3A_23, %dma_wait3A_54] : memref<10240x64xf32, #tpu.memory_space<vmem_shared>> -> memref<128x64xf32, #tpu.memory_space<vmem_shared>>
      tpu.wait_dma2 semaphore(%run_scoped3A : memref<!tpu.dma_semaphore, #tpu.memory_space<semaphore_mem>>) src(%arg9 : memref<128x64xf32, #tpu.memory_space<vmem>>) dst(%dma_wait3A_55 : memref<128x64xf32, #tpu.memory_space<vmem_shared>>)
      tpu.yield
    }) : () -> ()
    %barrier3A = arith.constant 0 : index
    tpu.barrier barrier_id(%barrier3A)
    %scan3A = arith.constant 0 : i32
    %scan3A_24 = arith.constant 0 : i32
    %scan3A_25 = arith.constant 4 : i32
    %scan3A_26 = arith.addi %scan3A_24, %scan3A_25 : i32
    %scan3A_27 = arith.constant 1 : i32
    scf.for %scan3A_50 = %scan3A_24 to %scan3A_26 step %scan3A_27  : i32 {
      "tpu.region"() ({
        %run_scoped3A = tpu.sem_alloc : memref<!tpu.dma_semaphore, #tpu.memory_space<semaphore_mem>>
        %dma_start3A = arith.constant 0 : i32
        %dma_start3A_57 = arith.constant 0 : i32
        %dma_start3A_58 = tpu.memref_slice %arg3[%arg1, %scan3A_50, %dma_start3A, %dma_start3A_57] : memref<16x4x40x128xi32, #tpu.memory_space<hbm>> -> memref<1x1x40x128xi32, #tpu.memory_space<hbm>>
        %dma_start3A_59 = tpu.memref_squeeze %dma_start3A_58 : memref<1x1x40x128xi32, #tpu.memory_space<hbm>> -> memref<40x128xi32, #tpu.memory_space<hbm>>
        %dma_start3A_60 = arith.constant 0 : i32
        %dma_start3A_61 = arith.constant 0 : i32
        %dma_start3A_62 = tpu.memref_slice %arg3[%arg1, %scan3A_50, %dma_start3A_60, %dma_start3A_61] : memref<16x4x40x128xi32, #tpu.memory_space<hbm>> -> memref<1x1x40x128xi32, #tpu.memory_space<hbm>>
        %dma_start3A_63 = tpu.memref_squeeze %dma_start3A_62 : memref<1x1x40x128xi32, #tpu.memory_space<hbm>> -> memref<40x128xi32, #tpu.memory_space<hbm>>
        tpu.enqueue_dma source(%dma_start3A_63 : memref<40x128xi32, #tpu.memory_space<hbm>>) target(%arg7 : memref<40x128xi32, #tpu.memory_space<vmem>>) target_semaphore(%run_scoped3A : memref<!tpu.dma_semaphore, #tpu.memory_space<semaphore_mem>>)
        %dma_wait3A = arith.constant 0 : i32
        %dma_wait3A_64 = arith.constant 0 : i32
        %dma_wait3A_65 = tpu.memref_slice %arg3[%arg1, %scan3A_50, %dma_wait3A, %dma_wait3A_64] : memref<16x4x40x128xi32, #tpu.memory_space<hbm>> -> memref<1x1x40x128xi32, #tpu.memory_space<hbm>>
        %dma_wait3A_66 = tpu.memref_squeeze %dma_wait3A_65 : memref<1x1x40x128xi32, #tpu.memory_space<hbm>> -> memref<40x128xi32, #tpu.memory_space<hbm>>
        %dma_wait3A_67 = arith.constant 0 : i32
        %dma_wait3A_68 = arith.constant 0 : i32
        %dma_wait3A_69 = tpu.memref_slice %arg3[%arg1, %scan3A_50, %dma_wait3A_67, %dma_wait3A_68] : memref<16x4x40x128xi32, #tpu.memory_space<hbm>> -> memref<1x1x40x128xi32, #tpu.memory_space<hbm>>
        %dma_wait3A_70 = tpu.memref_squeeze %dma_wait3A_69 : memref<1x1x40x128xi32, #tpu.memory_space<hbm>> -> memref<40x128xi32, #tpu.memory_space<hbm>>
        tpu.wait_dma2 semaphore(%run_scoped3A : memref<!tpu.dma_semaphore, #tpu.memory_space<semaphore_mem>>) src(%dma_wait3A_70 : memref<40x128xi32, #tpu.memory_space<hbm>>) dst(%arg7 : memref<40x128xi32, #tpu.memory_space<vmem>>)
        tpu.yield
      }) : () -> ()
      "tpu.region"() ({
        %run_scoped3A = tpu.sem_alloc : memref<!tpu.dma_semaphore, #tpu.memory_space<semaphore_mem>>
        %dma_start3A = arith.constant 0 : i32
        %dma_start3A_57 = arith.constant 0 : i32
        %dma_start3A_58 = tpu.memref_slice %arg4[%arg1, %scan3A_50, %dma_start3A, %dma_start3A_57] : memref<16x4x40x128xi32, #tpu.memory_space<hbm>> -> memref<1x1x40x128xi32, #tpu.memory_space<hbm>>
        %dma_start3A_59 = tpu.memref_squeeze %dma_start3A_58 : memref<1x1x40x128xi32, #tpu.memory_space<hbm>> -> memref<40x128xi32, #tpu.memory_space<hbm>>
        %dma_start3A_60 = arith.constant 0 : i32
        %dma_start3A_61 = arith.constant 0 : i32
        %dma_start3A_62 = tpu.memref_slice %arg4[%arg1, %scan3A_50, %dma_start3A_60, %dma_start3A_61] : memref<16x4x40x128xi32, #tpu.memory_space<hbm>> -> memref<1x1x40x128xi32, #tpu.memory_space<hbm>>
        %dma_start3A_63 = tpu.memref_squeeze %dma_start3A_62 : memref<1x1x40x128xi32, #tpu.memory_space<hbm>> -> memref<40x128xi32, #tpu.memory_space<hbm>>
        tpu.enqueue_dma source(%dma_start3A_63 : memref<40x128xi32, #tpu.memory_space<hbm>>) target(%arg8 : memref<40x128xi32, #tpu.memory_space<vmem>>) target_semaphore(%run_scoped3A : memref<!tpu.dma_semaphore, #tpu.memory_space<semaphore_mem>>)
        %dma_wait3A = arith.constant 0 : i32
        %dma_wait3A_64 = arith.constant 0 : i32
        %dma_wait3A_65 = tpu.memref_slice %arg4[%arg1, %scan3A_50, %dma_wait3A, %dma_wait3A_64] : memref<16x4x40x128xi32, #tpu.memory_space<hbm>> -> memref<1x1x40x128xi32, #tpu.memory_space<hbm>>
        %dma_wait3A_66 = tpu.memref_squeeze %dma_wait3A_65 : memref<1x1x40x128xi32, #tpu.memory_space<hbm>> -> memref<40x128xi32, #tpu.memory_space<hbm>>
        %dma_wait3A_67 = arith.constant 0 : i32
        %dma_wait3A_68 = arith.constant 0 : i32
        %dma_wait3A_69 = tpu.memref_slice %arg4[%arg1, %scan3A_50, %dma_wait3A_67, %dma_wait3A_68] : memref<16x4x40x128xi32, #tpu.memory_space<hbm>> -> memref<1x1x40x128xi32, #tpu.memory_space<hbm>>
        %dma_wait3A_70 = tpu.memref_squeeze %dma_wait3A_69 : memref<1x1x40x128xi32, #tpu.memory_space<hbm>> -> memref<40x128xi32, #tpu.memory_space<hbm>>
        tpu.wait_dma2 semaphore(%run_scoped3A : memref<!tpu.dma_semaphore, #tpu.memory_space<semaphore_mem>>) src(%dma_wait3A_70 : memref<40x128xi32, #tpu.memory_space<hbm>>) dst(%arg8 : memref<40x128xi32, #tpu.memory_space<vmem>>)
        tpu.yield
      }) : () -> ()
      %scan3A_51 = arith.constant 0 : i32
      %scan3A_52 = arith.constant 0 : i32
      %scan3A_53 = arith.constant 10 : i32
      %scan3A_54 = arith.addi %scan3A_52, %scan3A_53 : i32
      %scan3A_55 = arith.constant 1 : i32
      scf.for %scan3A_57 = %scan3A_52 to %scan3A_54 step %scan3A_55  : i32 {
        %mul3A_58 = arith.constant 4 : i32
        %mul3A_59 = arith.muli %scan3A_57, %mul3A_58 : i32
        %add3A_60 = arith.constant 0 : i32
        %add3A_61 = arith.addi %mul3A_59, %add3A_60 : i32
        %dma_start3A = arith.constant 0 : i32
        %dma_start3A_62 = tpu.memref_slice %arg7[%add3A_61, %dma_start3A] : memref<40x128xi32, #tpu.memory_space<vmem>> -> memref<1x128xi32, #tpu.memory_space<vmem>>
        %dma_start3A_63 = tpu.memref_squeeze %dma_start3A_62 : memref<1x128xi32, #tpu.memory_space<vmem>> -> memref<128xi32, #tpu.memory_space<vmem>>
        %dma_start3A_64 = arith.constant 0 : i32
        %dma_start3A_65 = arith.constant 0 : i32
        %dma_start3A_66 = tpu.memref_slice %arg13[%dma_start3A_64, %dma_start3A_65] : memref<10000x64xf32, #tpu.memory_space<vmem_shared>> -> memref<10000x64xf32, #tpu.memory_space<vmem_shared>>
        tpu.enqueue_indirect_dma source(%dma_start3A_66 : memref<10000x64xf32, #tpu.memory_space<vmem_shared>>) target(%arg9 : memref<128x64xf32, #tpu.memory_space<vmem>>) offsets(%dma_start3A_63 : memref<128xi32, #tpu.memory_space<vmem>>) semaphore(%arg15 : memref<!tpu.dma_semaphore, #tpu.memory_space<semaphore_mem>>)
        %add3A_67 = arith.constant 1 : i32
        %add3A_68 = arith.addi %mul3A_59, %add3A_67 : i32
        %dma_start3A_69 = arith.constant 0 : i32
        %dma_start3A_70 = tpu.memref_slice %arg7[%add3A_68, %dma_start3A_69] : memref<40x128xi32, #tpu.memory_space<vmem>> -> memref<1x128xi32, #tpu.memory_space<vmem>>
        %dma_start3A_71 = tpu.memref_squeeze %dma_start3A_70 : memref<1x128xi32, #tpu.memory_space<vmem>> -> memref<128xi32, #tpu.memory_space<vmem>>
        %dma_start3A_72 = arith.constant 0 : i32
        %dma_start3A_73 = arith.constant 0 : i32
        %dma_start3A_74 = tpu.memref_slice %arg13[%dma_start3A_72, %dma_start3A_73] : memref<10000x64xf32, #tpu.memory_space<vmem_shared>> -> memref<10000x64xf32, #tpu.memory_space<vmem_shared>>
        tpu.enqueue_indirect_dma source(%dma_start3A_74 : memref<10000x64xf32, #tpu.memory_space<vmem_shared>>) target(%arg10 : memref<128x64xf32, #tpu.memory_space<vmem>>) offsets(%dma_start3A_71 : memref<128xi32, #tpu.memory_space<vmem>>) semaphore(%arg16 : memref<!tpu.dma_semaphore, #tpu.memory_space<semaphore_mem>>)
        %add3A_75 = arith.constant 2 : i32
        %add3A_76 = arith.addi %mul3A_59, %add3A_75 : i32
        %dma_start3A_77 = arith.constant 0 : i32
        %dma_start3A_78 = tpu.memref_slice %arg7[%add3A_76, %dma_start3A_77] : memref<40x128xi32, #tpu.memory_space<vmem>> -> memref<1x128xi32, #tpu.memory_space<vmem>>
        %dma_start3A_79 = tpu.memref_squeeze %dma_start3A_78 : memref<1x128xi32, #tpu.memory_space<vmem>> -> memref<128xi32, #tpu.memory_space<vmem>>
        %dma_start3A_80 = arith.constant 0 : i32
        %dma_start3A_81 = arith.constant 0 : i32
        %dma_start3A_82 = tpu.memref_slice %arg13[%dma_start3A_80, %dma_start3A_81] : memref<10000x64xf32, #tpu.memory_space<vmem_shared>> -> memref<10000x64xf32, #tpu.memory_space<vmem_shared>>
        tpu.enqueue_indirect_dma source(%dma_start3A_82 : memref<10000x64xf32, #tpu.memory_space<vmem_shared>>) target(%arg11 : memref<128x64xf32, #tpu.memory_space<vmem>>) offsets(%dma_start3A_79 : memref<128xi32, #tpu.memory_space<vmem>>) semaphore(%arg17 : memref<!tpu.dma_semaphore, #tpu.memory_space<semaphore_mem>>)
        %add3A_83 = arith.constant 3 : i32
        %add3A_84 = arith.addi %mul3A_59, %add3A_83 : i32
        %dma_start3A_85 = arith.constant 0 : i32
        %dma_start3A_86 = tpu.memref_slice %arg7[%add3A_84, %dma_start3A_85] : memref<40x128xi32, #tpu.memory_space<vmem>> -> memref<1x128xi32, #tpu.memory_space<vmem>>
        %dma_start3A_87 = tpu.memref_squeeze %dma_start3A_86 : memref<1x128xi32, #tpu.memory_space<vmem>> -> memref<128xi32, #tpu.memory_space<vmem>>
        %dma_start3A_88 = arith.constant 0 : i32
        %dma_start3A_89 = arith.constant 0 : i32
        %dma_start3A_90 = tpu.memref_slice %arg13[%dma_start3A_88, %dma_start3A_89] : memref<10000x64xf32, #tpu.memory_space<vmem_shared>> -> memref<10000x64xf32, #tpu.memory_space<vmem_shared>>
        tpu.enqueue_indirect_dma source(%dma_start3A_90 : memref<10000x64xf32, #tpu.memory_space<vmem_shared>>) target(%arg12 : memref<128x64xf32, #tpu.memory_space<vmem>>) offsets(%dma_start3A_87 : memref<128xi32, #tpu.memory_space<vmem>>) semaphore(%arg18 : memref<!tpu.dma_semaphore, #tpu.memory_space<semaphore_mem>>)
        %dma_wait3A = arith.constant 0 : i32
        %dma_wait3A_91 = tpu.memref_slice %arg7[%add3A_61, %dma_wait3A] : memref<40x128xi32, #tpu.memory_space<vmem>> -> memref<1x128xi32, #tpu.memory_space<vmem>>
        %dma_wait3A_92 = tpu.memref_squeeze %dma_wait3A_91 : memref<1x128xi32, #tpu.memory_space<vmem>> -> memref<128xi32, #tpu.memory_space<vmem>>
        %dma_wait3A_93 = arith.constant 0 : i32
        %dma_wait3A_94 = arith.constant 0 : i32
        %dma_wait3A_95 = tpu.memref_slice %arg13[%dma_wait3A_93, %dma_wait3A_94] : memref<10000x64xf32, #tpu.memory_space<vmem_shared>> -> memref<10000x64xf32, #tpu.memory_space<vmem_shared>>
        tpu.wait_indirect_dma semaphore(%arg15 : memref<!tpu.dma_semaphore, #tpu.memory_space<semaphore_mem>>) src(%dma_wait3A_95 : memref<10000x64xf32, #tpu.memory_space<vmem_shared>>) dst(%arg9 : memref<128x64xf32, #tpu.memory_space<vmem>>)
        %add3A_96 = arith.constant 0 : i32
        %add3A_97 = arith.addi %mul3A_59, %add3A_96 : i32
        %dma_start3A_98 = arith.constant 0 : i32
        %dma_start3A_99 = tpu.memref_slice %arg8[%add3A_97, %dma_start3A_98] : memref<40x128xi32, #tpu.memory_space<vmem>> -> memref<1x128xi32, #tpu.memory_space<vmem>>
        %dma_start3A_100 = tpu.memref_squeeze %dma_start3A_99 : memref<1x128xi32, #tpu.memory_space<vmem>> -> memref<128xi32, #tpu.memory_space<vmem>>
        %dma_start3A_101 = arith.constant 0 : i32
        %dma_start3A_102 = arith.constant 0 : i32
        %dma_start3A_103 = tpu.memref_slice %arg14[%dma_start3A_101, %dma_start3A_102] : memref<10240x64xf32, #tpu.memory_space<vmem_shared>> -> memref<10240x64xf32, #tpu.memory_space<vmem_shared>>
        tpu.enqueue_indirect_dma source(%arg9 : memref<128x64xf32, #tpu.memory_space<vmem>>) target(%dma_start3A_103 : memref<10240x64xf32, #tpu.memory_space<vmem_shared>>) offsets(%dma_start3A_100 : memref<128xi32, #tpu.memory_space<vmem>>) semaphore(%arg19 : memref<!tpu.dma_semaphore, #tpu.memory_space<semaphore_mem>>) {add = true}
        %dma_wait3A_104 = arith.constant 0 : i32
        %dma_wait3A_105 = tpu.memref_slice %arg7[%add3A_68, %dma_wait3A_104] : memref<40x128xi32, #tpu.memory_space<vmem>> -> memref<1x128xi32, #tpu.memory_space<vmem>>
        %dma_wait3A_106 = tpu.memref_squeeze %dma_wait3A_105 : memref<1x128xi32, #tpu.memory_space<vmem>> -> memref<128xi32, #tpu.memory_space<vmem>>
        %dma_wait3A_107 = arith.constant 0 : i32
        %dma_wait3A_108 = arith.constant 0 : i32
        %dma_wait3A_109 = tpu.memref_slice %arg13[%dma_wait3A_107, %dma_wait3A_108] : memref<10000x64xf32, #tpu.memory_space<vmem_shared>> -> memref<10000x64xf32, #tpu.memory_space<vmem_shared>>
        tpu.wait_indirect_dma semaphore(%arg16 : memref<!tpu.dma_semaphore, #tpu.memory_space<semaphore_mem>>) src(%dma_wait3A_109 : memref<10000x64xf32, #tpu.memory_space<vmem_shared>>) dst(%arg10 : memref<128x64xf32, #tpu.memory_space<vmem>>)
        %add3A_110 = arith.constant 1 : i32
        %add3A_111 = arith.addi %mul3A_59, %add3A_110 : i32
        %dma_start3A_112 = arith.constant 0 : i32
        %dma_start3A_113 = tpu.memref_slice %arg8[%add3A_111, %dma_start3A_112] : memref<40x128xi32, #tpu.memory_space<vmem>> -> memref<1x128xi32, #tpu.memory_space<vmem>>
        %dma_start3A_114 = tpu.memref_squeeze %dma_start3A_113 : memref<1x128xi32, #tpu.memory_space<vmem>> -> memref<128xi32, #tpu.memory_space<vmem>>
        %dma_start3A_115 = arith.constant 0 : i32
        %dma_start3A_116 = arith.constant 0 : i32
        %dma_start3A_117 = tpu.memref_slice %arg14[%dma_start3A_115, %dma_start3A_116] : memref<10240x64xf32, #tpu.memory_space<vmem_shared>> -> memref<10240x64xf32, #tpu.memory_space<vmem_shared>>
        tpu.enqueue_indirect_dma source(%arg10 : memref<128x64xf32, #tpu.memory_space<vmem>>) target(%dma_start3A_117 : memref<10240x64xf32, #tpu.memory_space<vmem_shared>>) offsets(%dma_start3A_114 : memref<128xi32, #tpu.memory_space<vmem>>) semaphore(%arg20 : memref<!tpu.dma_semaphore, #tpu.memory_space<semaphore_mem>>) {add = true}
        %dma_wait3A_118 = arith.constant 0 : i32
        %dma_wait3A_119 = tpu.memref_slice %arg7[%add3A_76, %dma_wait3A_118] : memref<40x128xi32, #tpu.memory_space<vmem>> -> memref<1x128xi32, #tpu.memory_space<vmem>>
        %dma_wait3A_120 = tpu.memref_squeeze %dma_wait3A_119 : memref<1x128xi32, #tpu.memory_space<vmem>> -> memref<128xi32, #tpu.memory_space<vmem>>
        %dma_wait3A_121 = arith.constant 0 : i32
        %dma_wait3A_122 = arith.constant 0 : i32
        %dma_wait3A_123 = tpu.memref_slice %arg13[%dma_wait3A_121, %dma_wait3A_122] : memref<10000x64xf32, #tpu.memory_space<vmem_shared>> -> memref<10000x64xf32, #tpu.memory_space<vmem_shared>>
        tpu.wait_indirect_dma semaphore(%arg17 : memref<!tpu.dma_semaphore, #tpu.memory_space<semaphore_mem>>) src(%dma_wait3A_123 : memref<10000x64xf32, #tpu.memory_space<vmem_shared>>) dst(%arg11 : memref<128x64xf32, #tpu.memory_space<vmem>>)
        %add3A_124 = arith.constant 2 : i32
        %add3A_125 = arith.addi %mul3A_59, %add3A_124 : i32
        %dma_start3A_126 = arith.constant 0 : i32
        %dma_start3A_127 = tpu.memref_slice %arg8[%add3A_125, %dma_start3A_126] : memref<40x128xi32, #tpu.memory_space<vmem>> -> memref<1x128xi32, #tpu.memory_space<vmem>>
        %dma_start3A_128 = tpu.memref_squeeze %dma_start3A_127 : memref<1x128xi32, #tpu.memory_space<vmem>> -> memref<128xi32, #tpu.memory_space<vmem>>
        %dma_start3A_129 = arith.constant 0 : i32
        %dma_start3A_130 = arith.constant 0 : i32
        %dma_start3A_131 = tpu.memref_slice %arg14[%dma_start3A_129, %dma_start3A_130] : memref<10240x64xf32, #tpu.memory_space<vmem_shared>> -> memref<10240x64xf32, #tpu.memory_space<vmem_shared>>
        tpu.enqueue_indirect_dma source(%arg11 : memref<128x64xf32, #tpu.memory_space<vmem>>) target(%dma_start3A_131 : memref<10240x64xf32, #tpu.memory_space<vmem_shared>>) offsets(%dma_start3A_128 : memref<128xi32, #tpu.memory_space<vmem>>) semaphore(%arg21 : memref<!tpu.dma_semaphore, #tpu.memory_space<semaphore_mem>>) {add = true}
        %dma_wait3A_132 = arith.constant 0 : i32
        %dma_wait3A_133 = tpu.memref_slice %arg7[%add3A_84, %dma_wait3A_132] : memref<40x128xi32, #tpu.memory_space<vmem>> -> memref<1x128xi32, #tpu.memory_space<vmem>>
        %dma_wait3A_134 = tpu.memref_squeeze %dma_wait3A_133 : memref<1x128xi32, #tpu.memory_space<vmem>> -> memref<128xi32, #tpu.memory_space<vmem>>
        %dma_wait3A_135 = arith.constant 0 : i32
        %dma_wait3A_136 = arith.constant 0 : i32
        %dma_wait3A_137 = tpu.memref_slice %arg13[%dma_wait3A_135, %dma_wait3A_136] : memref<10000x64xf32, #tpu.memory_space<vmem_shared>> -> memref<10000x64xf32, #tpu.memory_space<vmem_shared>>
        tpu.wait_indirect_dma semaphore(%arg18 : memref<!tpu.dma_semaphore, #tpu.memory_space<semaphore_mem>>) src(%dma_wait3A_137 : memref<10000x64xf32, #tpu.memory_space<vmem_shared>>) dst(%arg12 : memref<128x64xf32, #tpu.memory_space<vmem>>)
        %add3A_138 = arith.constant 3 : i32
        %add3A_139 = arith.addi %mul3A_59, %add3A_138 : i32
        %dma_start3A_140 = arith.constant 0 : i32
        %dma_start3A_141 = tpu.memref_slice %arg8[%add3A_139, %dma_start3A_140] : memref<40x128xi32, #tpu.memory_space<vmem>> -> memref<1x128xi32, #tpu.memory_space<vmem>>
        %dma_start3A_142 = tpu.memref_squeeze %dma_start3A_141 : memref<1x128xi32, #tpu.memory_space<vmem>> -> memref<128xi32, #tpu.memory_space<vmem>>
        %dma_start3A_143 = arith.constant 0 : i32
        %dma_start3A_144 = arith.constant 0 : i32
        %dma_start3A_145 = tpu.memref_slice %arg14[%dma_start3A_143, %dma_start3A_144] : memref<10240x64xf32, #tpu.memory_space<vmem_shared>> -> memref<10240x64xf32, #tpu.memory_space<vmem_shared>>
        tpu.enqueue_indirect_dma source(%arg12 : memref<128x64xf32, #tpu.memory_space<vmem>>) target(%dma_start3A_145 : memref<10240x64xf32, #tpu.memory_space<vmem_shared>>) offsets(%dma_start3A_142 : memref<128xi32, #tpu.memory_space<vmem>>) semaphore(%arg22 : memref<!tpu.dma_semaphore, #tpu.memory_space<semaphore_mem>>) {add = true}
        %dma_wait3A_146 = arith.constant 0 : i32
        %dma_wait3A_147 = tpu.memref_slice %arg8[%add3A_97, %dma_wait3A_146] : memref<40x128xi32, #tpu.memory_space<vmem>> -> memref<1x128xi32, #tpu.memory_space<vmem>>
        %dma_wait3A_148 = tpu.memref_squeeze %dma_wait3A_147 : memref<1x128xi32, #tpu.memory_space<vmem>> -> memref<128xi32, #tpu.memory_space<vmem>>
        %dma_wait3A_149 = arith.constant 0 : i32
        %dma_wait3A_150 = arith.constant 0 : i32
        %dma_wait3A_151 = tpu.memref_slice %arg14[%dma_wait3A_149, %dma_wait3A_150] : memref<10240x64xf32, #tpu.memory_space<vmem_shared>> -> memref<10240x64xf32, #tpu.memory_space<vmem_shared>>
        tpu.wait_indirect_dma semaphore(%arg19 : memref<!tpu.dma_semaphore, #tpu.memory_space<semaphore_mem>>) src(%arg9 : memref<128x64xf32, #tpu.memory_space<vmem>>) dst(%dma_wait3A_151 : memref<10240x64xf32, #tpu.memory_space<vmem_shared>>)
        %dma_wait3A_152 = arith.constant 0 : i32
        %dma_wait3A_153 = tpu.memref_slice %arg8[%add3A_111, %dma_wait3A_152] : memref<40x128xi32, #tpu.memory_space<vmem>> -> memref<1x128xi32, #tpu.memory_space<vmem>>
        %dma_wait3A_154 = tpu.memref_squeeze %dma_wait3A_153 : memref<1x128xi32, #tpu.memory_space<vmem>> -> memref<128xi32, #tpu.memory_space<vmem>>
        %dma_wait3A_155 = arith.constant 0 : i32
        %dma_wait3A_156 = arith.constant 0 : i32
        %dma_wait3A_157 = tpu.memref_slice %arg14[%dma_wait3A_155, %dma_wait3A_156] : memref<10240x64xf32, #tpu.memory_space<vmem_shared>> -> memref<10240x64xf32, #tpu.memory_space<vmem_shared>>
        tpu.wait_indirect_dma semaphore(%arg20 : memref<!tpu.dma_semaphore, #tpu.memory_space<semaphore_mem>>) src(%arg10 : memref<128x64xf32, #tpu.memory_space<vmem>>) dst(%dma_wait3A_157 : memref<10240x64xf32, #tpu.memory_space<vmem_shared>>)
        %dma_wait3A_158 = arith.constant 0 : i32
        %dma_wait3A_159 = tpu.memref_slice %arg8[%add3A_125, %dma_wait3A_158] : memref<40x128xi32, #tpu.memory_space<vmem>> -> memref<1x128xi32, #tpu.memory_space<vmem>>
        %dma_wait3A_160 = tpu.memref_squeeze %dma_wait3A_159 : memref<1x128xi32, #tpu.memory_space<vmem>> -> memref<128xi32, #tpu.memory_space<vmem>>
        %dma_wait3A_161 = arith.constant 0 : i32
        %dma_wait3A_162 = arith.constant 0 : i32
        %dma_wait3A_163 = tpu.memref_slice %arg14[%dma_wait3A_161, %dma_wait3A_162] : memref<10240x64xf32, #tpu.memory_space<vmem_shared>> -> memref<10240x64xf32, #tpu.memory_space<vmem_shared>>
        tpu.wait_indirect_dma semaphore(%arg21 : memref<!tpu.dma_semaphore, #tpu.memory_space<semaphore_mem>>) src(%arg11 : memref<128x64xf32, #tpu.memory_space<vmem>>) dst(%dma_wait3A_163 : memref<10240x64xf32, #tpu.memory_space<vmem_shared>>)
        %dma_wait3A_164 = arith.constant 0 : i32
        %dma_wait3A_165 = tpu.memref_slice %arg8[%add3A_139, %dma_wait3A_164] : memref<40x128xi32, #tpu.memory_space<vmem>> -> memref<1x128xi32, #tpu.memory_space<vmem>>
        %dma_wait3A_166 = tpu.memref_squeeze %dma_wait3A_165 : memref<1x128xi32, #tpu.memory_space<vmem>> -> memref<128xi32, #tpu.memory_space<vmem>>
        %dma_wait3A_167 = arith.constant 0 : i32
        %dma_wait3A_168 = arith.constant 0 : i32
        %dma_wait3A_169 = tpu.memref_slice %arg14[%dma_wait3A_167, %dma_wait3A_168] : memref<10240x64xf32, #tpu.memory_space<vmem_shared>> -> memref<10240x64xf32, #tpu.memory_space<vmem_shared>>
        tpu.wait_indirect_dma semaphore(%arg22 : memref<!tpu.dma_semaphore, #tpu.memory_space<semaphore_mem>>) src(%arg12 : memref<128x64xf32, #tpu.memory_space<vmem>>) dst(%dma_wait3A_169 : memref<10240x64xf32, #tpu.memory_space<vmem_shared>>)
      }
      %scan3A_56 = arith.constant 10 : i32
    }
    %scan3A_28 = arith.constant 4 : i32
    %barrier3A_29 = arith.constant 0 : index
    tpu.barrier barrier_id(%barrier3A_29)
    %mul3A_30 = arith.constant 640 : i32
    %mul3A_31 = arith.muli %arg1, %mul3A_30 : i32
    %add3A_32 = arith.constant 0 : i32
    %add3A_33 = arith.addi %mul3A_31, %add3A_32 : i32
    "tpu.region"() ({
      %run_scoped3A = tpu.sem_alloc : memref<!tpu.dma_semaphore, #tpu.memory_space<semaphore_mem>>
      %dma_start3A = arith.constant 0 : i32
      %dma_start3A_50 = tpu.memref_slice %arg14[%add3A_33, %dma_start3A] : memref<10240x64xf32, #tpu.memory_space<vmem_shared>> -> memref<128x64xf32, #tpu.memory_space<vmem_shared>>
      %dma_start3A_51 = arith.constant 0 : i32
      %dma_start3A_52 = tpu.memref_slice %arg14[%add3A_33, %dma_start3A_51] : memref<10240x64xf32, #tpu.memory_space<vmem_shared>> -> memref<128x64xf32, #tpu.memory_space<vmem_shared>>
      tpu.enqueue_dma source(%dma_start3A_52 : memref<128x64xf32, #tpu.memory_space<vmem_shared>>) target(%arg9 : memref<128x64xf32, #tpu.memory_space<vmem>>) target_semaphore(%run_scoped3A : memref<!tpu.dma_semaphore, #tpu.memory_space<semaphore_mem>>)
      %dma_wait3A = arith.constant 0 : i32
      %dma_wait3A_53 = tpu.memref_slice %arg14[%add3A_33, %dma_wait3A] : memref<10240x64xf32, #tpu.memory_space<vmem_shared>> -> memref<128x64xf32, #tpu.memory_space<vmem_shared>>
      %dma_wait3A_54 = arith.constant 0 : i32
      %dma_wait3A_55 = tpu.memref_slice %arg14[%add3A_33, %dma_wait3A_54] : memref<10240x64xf32, #tpu.memory_space<vmem_shared>> -> memref<128x64xf32, #tpu.memory_space<vmem_shared>>
      tpu.wait_dma2 semaphore(%run_scoped3A : memref<!tpu.dma_semaphore, #tpu.memory_space<semaphore_mem>>) src(%dma_wait3A_55 : memref<128x64xf32, #tpu.memory_space<vmem_shared>>) dst(%arg9 : memref<128x64xf32, #tpu.memory_space<vmem>>)
      tpu.yield
    }) : () -> ()
    "tpu.region"() ({
      %run_scoped3A = tpu.sem_alloc : memref<!tpu.dma_semaphore, #tpu.memory_space<semaphore_mem>>
      %dma_start3A = arith.constant 0 : i32
      %dma_start3A_50 = tpu.memref_slice %arg6[%arg0, %add3A_33, %dma_start3A] : memref<2x10240x64xf32, #tpu.memory_space<hbm>> -> memref<1x128x64xf32, #tpu.memory_space<hbm>>
      %dma_start3A_51 = tpu.memref_squeeze %dma_start3A_50 : memref<1x128x64xf32, #tpu.memory_space<hbm>> -> memref<128x64xf32, #tpu.memory_space<hbm>>
      %dma_start3A_52 = arith.constant 0 : i32
      %dma_start3A_53 = tpu.memref_slice %arg6[%arg0, %add3A_33, %dma_start3A_52] : memref<2x10240x64xf32, #tpu.memory_space<hbm>> -> memref<1x128x64xf32, #tpu.memory_space<hbm>>
      %dma_start3A_54 = tpu.memref_squeeze %dma_start3A_53 : memref<1x128x64xf32, #tpu.memory_space<hbm>> -> memref<128x64xf32, #tpu.memory_space<hbm>>
      tpu.enqueue_dma source(%arg9 : memref<128x64xf32, #tpu.memory_space<vmem>>) target(%dma_start3A_54 : memref<128x64xf32, #tpu.memory_space<hbm>>) target_semaphore(%run_scoped3A : memref<!tpu.dma_semaphore, #tpu.memory_space<semaphore_mem>>)
      %dma_wait3A = arith.constant 0 : i32
      %dma_wait3A_55 = tpu.memref_slice %arg6[%arg0, %add3A_33, %dma_wait3A] : memref<2x10240x64xf32, #tpu.memory_space<hbm>> -> memref<1x128x64xf32, #tpu.memory_space<hbm>>
      %dma_wait3A_56 = tpu.memref_squeeze %dma_wait3A_55 : memref<1x128x64xf32, #tpu.memory_space<hbm>> -> memref<128x64xf32, #tpu.memory_space<hbm>>
      %dma_wait3A_57 = arith.constant 0 : i32
      %dma_wait3A_58 = tpu.memref_slice %arg6[%arg0, %add3A_33, %dma_wait3A_57] : memref<2x10240x64xf32, #tpu.memory_space<hbm>> -> memref<1x128x64xf32, #tpu.memory_space<hbm>>
      %dma_wait3A_59 = tpu.memref_squeeze %dma_wait3A_58 : memref<1x128x64xf32, #tpu.memory_space<hbm>> -> memref<128x64xf32, #tpu.memory_space<hbm>>
      tpu.wait_dma2 semaphore(%run_scoped3A : memref<!tpu.dma_semaphore, #tpu.memory_space<semaphore_mem>>) src(%arg9 : memref<128x64xf32, #tpu.memory_space<vmem>>) dst(%dma_wait3A_59 : memref<128x64xf32, #tpu.memory_space<hbm>>)
      tpu.yield
    }) : () -> ()
    %mul3A_34 = arith.constant 640 : i32
    %mul3A_35 = arith.muli %arg1, %mul3A_34 : i32
    %add3A_36 = arith.constant 128 : i32
    %add3A_37 = arith.addi %mul3A_35, %add3A_36 : i32
    "tpu.region"() ({
      %run_scoped3A = tpu.sem_alloc : memref<!tpu.dma_semaphore, #tpu.memory_space<semaphore_mem>>
      %dma_start3A = arith.constant 0 : i32
      %dma_start3A_50 = tpu.memref_slice %arg14[%add3A_37, %dma_start3A] : memref<10240x64xf32, #tpu.memory_space<vmem_shared>> -> memref<128x64xf32, #tpu.memory_space<vmem_shared>>
      %dma_start3A_51 = arith.constant 0 : i32
      %dma_start3A_52 = tpu.memref_slice %arg14[%add3A_37, %dma_start3A_51] : memref<10240x64xf32, #tpu.memory_space<vmem_shared>> -> memref<128x64xf32, #tpu.memory_space<vmem_shared>>
      tpu.enqueue_dma source(%dma_start3A_52 : memref<128x64xf32, #tpu.memory_space<vmem_shared>>) target(%arg10 : memref<128x64xf32, #tpu.memory_space<vmem>>) target_semaphore(%run_scoped3A : memref<!tpu.dma_semaphore, #tpu.memory_space<semaphore_mem>>)
      %dma_wait3A = arith.constant 0 : i32
      %dma_wait3A_53 = tpu.memref_slice %arg14[%add3A_37, %dma_wait3A] : memref<10240x64xf32, #tpu.memory_space<vmem_shared>> -> memref<128x64xf32, #tpu.memory_space<vmem_shared>>
      %dma_wait3A_54 = arith.constant 0 : i32
      %dma_wait3A_55 = tpu.memref_slice %arg14[%add3A_37, %dma_wait3A_54] : memref<10240x64xf32, #tpu.memory_space<vmem_shared>> -> memref<128x64xf32, #tpu.memory_space<vmem_shared>>
      tpu.wait_dma2 semaphore(%run_scoped3A : memref<!tpu.dma_semaphore, #tpu.memory_space<semaphore_mem>>) src(%dma_wait3A_55 : memref<128x64xf32, #tpu.memory_space<vmem_shared>>) dst(%arg10 : memref<128x64xf32, #tpu.memory_space<vmem>>)
      tpu.yield
    }) : () -> ()
    "tpu.region"() ({
      %run_scoped3A = tpu.sem_alloc : memref<!tpu.dma_semaphore, #tpu.memory_space<semaphore_mem>>
      %dma_start3A = arith.constant 0 : i32
      %dma_start3A_50 = tpu.memref_slice %arg6[%arg0, %add3A_37, %dma_start3A] : memref<2x10240x64xf32, #tpu.memory_space<hbm>> -> memref<1x128x64xf32, #tpu.memory_space<hbm>>
      %dma_start3A_51 = tpu.memref_squeeze %dma_start3A_50 : memref<1x128x64xf32, #tpu.memory_space<hbm>> -> memref<128x64xf32, #tpu.memory_space<hbm>>
      %dma_start3A_52 = arith.constant 0 : i32
      %dma_start3A_53 = tpu.memref_slice %arg6[%arg0, %add3A_37, %dma_start3A_52] : memref<2x10240x64xf32, #tpu.memory_space<hbm>> -> memref<1x128x64xf32, #tpu.memory_space<hbm>>
      %dma_start3A_54 = tpu.memref_squeeze %dma_start3A_53 : memref<1x128x64xf32, #tpu.memory_space<hbm>> -> memref<128x64xf32, #tpu.memory_space<hbm>>
      tpu.enqueue_dma source(%arg10 : memref<128x64xf32, #tpu.memory_space<vmem>>) target(%dma_start3A_54 : memref<128x64xf32, #tpu.memory_space<hbm>>) target_semaphore(%run_scoped3A : memref<!tpu.dma_semaphore, #tpu.memory_space<semaphore_mem>>)
      %dma_wait3A = arith.constant 0 : i32
      %dma_wait3A_55 = tpu.memref_slice %arg6[%arg0, %add3A_37, %dma_wait3A] : memref<2x10240x64xf32, #tpu.memory_space<hbm>> -> memref<1x128x64xf32, #tpu.memory_space<hbm>>
      %dma_wait3A_56 = tpu.memref_squeeze %dma_wait3A_55 : memref<1x128x64xf32, #tpu.memory_space<hbm>> -> memref<128x64xf32, #tpu.memory_space<hbm>>
      %dma_wait3A_57 = arith.constant 0 : i32
      %dma_wait3A_58 = tpu.memref_slice %arg6[%arg0, %add3A_37, %dma_wait3A_57] : memref<2x10240x64xf32, #tpu.memory_space<hbm>> -> memref<1x128x64xf32, #tpu.memory_space<hbm>>
      %dma_wait3A_59 = tpu.memref_squeeze %dma_wait3A_58 : memref<1x128x64xf32, #tpu.memory_space<hbm>> -> memref<128x64xf32, #tpu.memory_space<hbm>>
      tpu.wait_dma2 semaphore(%run_scoped3A : memref<!tpu.dma_semaphore, #tpu.memory_space<semaphore_mem>>) src(%arg10 : memref<128x64xf32, #tpu.memory_space<vmem>>) dst(%dma_wait3A_59 : memref<128x64xf32, #tpu.memory_space<hbm>>)
      tpu.yield
    }) : () -> ()
    %mul3A_38 = arith.constant 640 : i32
    %mul3A_39 = arith.muli %arg1, %mul3A_38 : i32
    %add3A_40 = arith.constant 256 : i32
    %add3A_41 = arith.addi %mul3A_39, %add3A_40 : i32
    "tpu.region"() ({
      %run_scoped3A = tpu.sem_alloc : memref<!tpu.dma_semaphore, #tpu.memory_space<semaphore_mem>>
      %dma_start3A = arith.constant 0 : i32
      %dma_start3A_50 = tpu.memref_slice %arg14[%add3A_41, %dma_start3A] : memref<10240x64xf32, #tpu.memory_space<vmem_shared>> -> memref<128x64xf32, #tpu.memory_space<vmem_shared>>
      %dma_start3A_51 = arith.constant 0 : i32
      %dma_start3A_52 = tpu.memref_slice %arg14[%add3A_41, %dma_start3A_51] : memref<10240x64xf32, #tpu.memory_space<vmem_shared>> -> memref<128x64xf32, #tpu.memory_space<vmem_shared>>
      tpu.enqueue_dma source(%dma_start3A_52 : memref<128x64xf32, #tpu.memory_space<vmem_shared>>) target(%arg11 : memref<128x64xf32, #tpu.memory_space<vmem>>) target_semaphore(%run_scoped3A : memref<!tpu.dma_semaphore, #tpu.memory_space<semaphore_mem>>)
      %dma_wait3A = arith.constant 0 : i32
      %dma_wait3A_53 = tpu.memref_slice %arg14[%add3A_41, %dma_wait3A] : memref<10240x64xf32, #tpu.memory_space<vmem_shared>> -> memref<128x64xf32, #tpu.memory_space<vmem_shared>>
      %dma_wait3A_54 = arith.constant 0 : i32
      %dma_wait3A_55 = tpu.memref_slice %arg14[%add3A_41, %dma_wait3A_54] : memref<10240x64xf32, #tpu.memory_space<vmem_shared>> -> memref<128x64xf32, #tpu.memory_space<vmem_shared>>
      tpu.wait_dma2 semaphore(%run_scoped3A : memref<!tpu.dma_semaphore, #tpu.memory_space<semaphore_mem>>) src(%dma_wait3A_55 : memref<128x64xf32, #tpu.memory_space<vmem_shared>>) dst(%arg11 : memref<128x64xf32, #tpu.memory_space<vmem>>)
      tpu.yield
    }) : () -> ()
    "tpu.region"() ({
      %run_scoped3A = tpu.sem_alloc : memref<!tpu.dma_semaphore, #tpu.memory_space<semaphore_mem>>
      %dma_start3A = arith.constant 0 : i32
      %dma_start3A_50 = tpu.memref_slice %arg6[%arg0, %add3A_41, %dma_start3A] : memref<2x10240x64xf32, #tpu.memory_space<hbm>> -> memref<1x128x64xf32, #tpu.memory_space<hbm>>
      %dma_start3A_51 = tpu.memref_squeeze %dma_start3A_50 : memref<1x128x64xf32, #tpu.memory_space<hbm>> -> memref<128x64xf32, #tpu.memory_space<hbm>>
      %dma_start3A_52 = arith.constant 0 : i32
      %dma_start3A_53 = tpu.memref_slice %arg6[%arg0, %add3A_41, %dma_start3A_52] : memref<2x10240x64xf32, #tpu.memory_space<hbm>> -> memref<1x128x64xf32, #tpu.memory_space<hbm>>
      %dma_start3A_54 = tpu.memref_squeeze %dma_start3A_53 : memref<1x128x64xf32, #tpu.memory_space<hbm>> -> memref<128x64xf32, #tpu.memory_space<hbm>>
      tpu.enqueue_dma source(%arg11 : memref<128x64xf32, #tpu.memory_space<vmem>>) target(%dma_start3A_54 : memref<128x64xf32, #tpu.memory_space<hbm>>) target_semaphore(%run_scoped3A : memref<!tpu.dma_semaphore, #tpu.memory_space<semaphore_mem>>)
      %dma_wait3A = arith.constant 0 : i32
      %dma_wait3A_55 = tpu.memref_slice %arg6[%arg0, %add3A_41, %dma_wait3A] : memref<2x10240x64xf32, #tpu.memory_space<hbm>> -> memref<1x128x64xf32, #tpu.memory_space<hbm>>
      %dma_wait3A_56 = tpu.memref_squeeze %dma_wait3A_55 : memref<1x128x64xf32, #tpu.memory_space<hbm>> -> memref<128x64xf32, #tpu.memory_space<hbm>>
      %dma_wait3A_57 = arith.constant 0 : i32
      %dma_wait3A_58 = tpu.memref_slice %arg6[%arg0, %add3A_41, %dma_wait3A_57] : memref<2x10240x64xf32, #tpu.memory_space<hbm>> -> memref<1x128x64xf32, #tpu.memory_space<hbm>>
      %dma_wait3A_59 = tpu.memref_squeeze %dma_wait3A_58 : memref<1x128x64xf32, #tpu.memory_space<hbm>> -> memref<128x64xf32, #tpu.memory_space<hbm>>
      tpu.wait_dma2 semaphore(%run_scoped3A : memref<!tpu.dma_semaphore, #tpu.memory_space<semaphore_mem>>) src(%arg11 : memref<128x64xf32, #tpu.memory_space<vmem>>) dst(%dma_wait3A_59 : memref<128x64xf32, #tpu.memory_space<hbm>>)
      tpu.yield
    }) : () -> ()
    %mul3A_42 = arith.constant 640 : i32
    %mul3A_43 = arith.muli %arg1, %mul3A_42 : i32
    %add3A_44 = arith.constant 384 : i32
    %add3A_45 = arith.addi %mul3A_43, %add3A_44 : i32
    "tpu.region"() ({
      %run_scoped3A = tpu.sem_alloc : memref<!tpu.dma_semaphore, #tpu.memory_space<semaphore_mem>>
      %dma_start3A = arith.constant 0 : i32
      %dma_start3A_50 = tpu.memref_slice %arg14[%add3A_45, %dma_start3A] : memref<10240x64xf32, #tpu.memory_space<vmem_shared>> -> memref<128x64xf32, #tpu.memory_space<vmem_shared>>
      %dma_start3A_51 = arith.constant 0 : i32
      %dma_start3A_52 = tpu.memref_slice %arg14[%add3A_45, %dma_start3A_51] : memref<10240x64xf32, #tpu.memory_space<vmem_shared>> -> memref<128x64xf32, #tpu.memory_space<vmem_shared>>
      tpu.enqueue_dma source(%dma_start3A_52 : memref<128x64xf32, #tpu.memory_space<vmem_shared>>) target(%arg12 : memref<128x64xf32, #tpu.memory_space<vmem>>) target_semaphore(%run_scoped3A : memref<!tpu.dma_semaphore, #tpu.memory_space<semaphore_mem>>)
      %dma_wait3A = arith.constant 0 : i32
      %dma_wait3A_53 = tpu.memref_slice %arg14[%add3A_45, %dma_wait3A] : memref<10240x64xf32, #tpu.memory_space<vmem_shared>> -> memref<128x64xf32, #tpu.memory_space<vmem_shared>>
      %dma_wait3A_54 = arith.constant 0 : i32
      %dma_wait3A_55 = tpu.memref_slice %arg14[%add3A_45, %dma_wait3A_54] : memref<10240x64xf32, #tpu.memory_space<vmem_shared>> -> memref<128x64xf32, #tpu.memory_space<vmem_shared>>
      tpu.wait_dma2 semaphore(%run_scoped3A : memref<!tpu.dma_semaphore, #tpu.memory_space<semaphore_mem>>) src(%dma_wait3A_55 : memref<128x64xf32, #tpu.memory_space<vmem_shared>>) dst(%arg12 : memref<128x64xf32, #tpu.memory_space<vmem>>)
      tpu.yield
    }) : () -> ()
    "tpu.region"() ({
      %run_scoped3A = tpu.sem_alloc : memref<!tpu.dma_semaphore, #tpu.memory_space<semaphore_mem>>
      %dma_start3A = arith.constant 0 : i32
      %dma_start3A_50 = tpu.memref_slice %arg6[%arg0, %add3A_45, %dma_start3A] : memref<2x10240x64xf32, #tpu.memory_space<hbm>> -> memref<1x128x64xf32, #tpu.memory_space<hbm>>
      %dma_start3A_51 = tpu.memref_squeeze %dma_start3A_50 : memref<1x128x64xf32, #tpu.memory_space<hbm>> -> memref<128x64xf32, #tpu.memory_space<hbm>>
      %dma_start3A_52 = arith.constant 0 : i32
      %dma_start3A_53 = tpu.memref_slice %arg6[%arg0, %add3A_45, %dma_start3A_52] : memref<2x10240x64xf32, #tpu.memory_space<hbm>> -> memref<1x128x64xf32, #tpu.memory_space<hbm>>
      %dma_start3A_54 = tpu.memref_squeeze %dma_start3A_53 : memref<1x128x64xf32, #tpu.memory_space<hbm>> -> memref<128x64xf32, #tpu.memory_space<hbm>>
      tpu.enqueue_dma source(%arg12 : memref<128x64xf32, #tpu.memory_space<vmem>>) target(%dma_start3A_54 : memref<128x64xf32, #tpu.memory_space<hbm>>) target_semaphore(%run_scoped3A : memref<!tpu.dma_semaphore, #tpu.memory_space<semaphore_mem>>)
      %dma_wait3A = arith.constant 0 : i32
      %dma_wait3A_55 = tpu.memref_slice %arg6[%arg0, %add3A_45, %dma_wait3A] : memref<2x10240x64xf32, #tpu.memory_space<hbm>> -> memref<1x128x64xf32, #tpu.memory_space<hbm>>
      %dma_wait3A_56 = tpu.memref_squeeze %dma_wait3A_55 : memref<1x128x64xf32, #tpu.memory_space<hbm>> -> memref<128x64xf32, #tpu.memory_space<hbm>>
      %dma_wait3A_57 = arith.constant 0 : i32
      %dma_wait3A_58 = tpu.memref_slice %arg6[%arg0, %add3A_45, %dma_wait3A_57] : memref<2x10240x64xf32, #tpu.memory_space<hbm>> -> memref<1x128x64xf32, #tpu.memory_space<hbm>>
      %dma_wait3A_59 = tpu.memref_squeeze %dma_wait3A_58 : memref<1x128x64xf32, #tpu.memory_space<hbm>> -> memref<128x64xf32, #tpu.memory_space<hbm>>
      tpu.wait_dma2 semaphore(%run_scoped3A : memref<!tpu.dma_semaphore, #tpu.memory_space<semaphore_mem>>) src(%arg12 : memref<128x64xf32, #tpu.memory_space<vmem>>) dst(%dma_wait3A_59 : memref<128x64xf32, #tpu.memory_space<hbm>>)
      tpu.yield
    }) : () -> ()
    %mul3A_46 = arith.constant 640 : i32
    %mul3A_47 = arith.muli %arg1, %mul3A_46 : i32
    %add3A_48 = arith.constant 512 : i32
    %add3A_49 = arith.addi %mul3A_47, %add3A_48 : i32
    "tpu.region"() ({
      %run_scoped3A = tpu.sem_alloc : memref<!tpu.dma_semaphore, #tpu.memory_space<semaphore_mem>>
      %dma_start3A = arith.constant 0 : i32
      %dma_start3A_50 = tpu.memref_slice %arg14[%add3A_49, %dma_start3A] : memref<10240x64xf32, #tpu.memory_space<vmem_shared>> -> memref<128x64xf32, #tpu.memory_space<vmem_shared>>
      %dma_start3A_51 = arith.constant 0 : i32
      %dma_start3A_52 = tpu.memref_slice %arg14[%add3A_49, %dma_start3A_51] : memref<10240x64xf32, #tpu.memory_space<vmem_shared>> -> memref<128x64xf32, #tpu.memory_space<vmem_shared>>
      tpu.enqueue_dma source(%dma_start3A_52 : memref<128x64xf32, #tpu.memory_space<vmem_shared>>) target(%arg9 : memref<128x64xf32, #tpu.memory_space<vmem>>) target_semaphore(%run_scoped3A : memref<!tpu.dma_semaphore, #tpu.memory_space<semaphore_mem>>)
      %dma_wait3A = arith.constant 0 : i32
      %dma_wait3A_53 = tpu.memref_slice %arg14[%add3A_49, %dma_wait3A] : memref<10240x64xf32, #tpu.memory_space<vmem_shared>> -> memref<128x64xf32, #tpu.memory_space<vmem_shared>>
      %dma_wait3A_54 = arith.constant 0 : i32
      %dma_wait3A_55 = tpu.memref_slice %arg14[%add3A_49, %dma_wait3A_54] : memref<10240x64xf32, #tpu.memory_space<vmem_shared>> -> memref<128x64xf32, #tpu.memory_space<vmem_shared>>
      tpu.wait_dma2 semaphore(%run_scoped3A : memref<!tpu.dma_semaphore, #tpu.memory_space<semaphore_mem>>) src(%dma_wait3A_55 : memref<128x64xf32, #tpu.memory_space<vmem_shared>>) dst(%arg9 : memref<128x64xf32, #tpu.memory_space<vmem>>)
      tpu.yield
    }) : () -> ()
    "tpu.region"() ({
      %run_scoped3A = tpu.sem_alloc : memref<!tpu.dma_semaphore, #tpu.memory_space<semaphore_mem>>
      %dma_start3A = arith.constant 0 : i32
      %dma_start3A_50 = tpu.memref_slice %arg6[%arg0, %add3A_49, %dma_start3A] : memref<2x10240x64xf32, #tpu.memory_space<hbm>> -> memref<1x128x64xf32, #tpu.memory_space<hbm>>
      %dma_start3A_51 = tpu.memref_squeeze %dma_start3A_50 : memref<1x128x64xf32, #tpu.memory_space<hbm>> -> memref<128x64xf32, #tpu.memory_space<hbm>>
      %dma_start3A_52 = arith.constant 0 : i32
      %dma_start3A_53 = tpu.memref_slice %arg6[%arg0, %add3A_49, %dma_start3A_52] : memref<2x10240x64xf32, #tpu.memory_space<hbm>> -> memref<1x128x64xf32, #tpu.memory_space<hbm>>
      %dma_start3A_54 = tpu.memref_squeeze %dma_start3A_53 : memref<1x128x64xf32, #tpu.memory_space<hbm>> -> memref<128x64xf32, #tpu.memory_space<hbm>>
      tpu.enqueue_dma source(%arg9 : memref<128x64xf32, #tpu.memory_space<vmem>>) target(%dma_start3A_54 : memref<128x64xf32, #tpu.memory_space<hbm>>) target_semaphore(%run_scoped3A : memref<!tpu.dma_semaphore, #tpu.memory_space<semaphore_mem>>)
      %dma_wait3A = arith.constant 0 : i32
      %dma_wait3A_55 = tpu.memref_slice %arg6[%arg0, %add3A_49, %dma_wait3A] : memref<2x10240x64xf32, #tpu.memory_space<hbm>> -> memref<1x128x64xf32, #tpu.memory_space<hbm>>
      %dma_wait3A_56 = tpu.memref_squeeze %dma_wait3A_55 : memref<1x128x64xf32, #tpu.memory_space<hbm>> -> memref<128x64xf32, #tpu.memory_space<hbm>>
      %dma_wait3A_57 = arith.constant 0 : i32
      %dma_wait3A_58 = tpu.memref_slice %arg6[%arg0, %add3A_49, %dma_wait3A_57] : memref<2x10240x64xf32, #tpu.memory_space<hbm>> -> memref<1x128x64xf32, #tpu.memory_space<hbm>>
      %dma_wait3A_59 = tpu.memref_squeeze %dma_wait3A_58 : memref<1x128x64xf32, #tpu.memory_space<hbm>> -> memref<128x64xf32, #tpu.memory_space<hbm>>
      tpu.wait_dma2 semaphore(%run_scoped3A : memref<!tpu.dma_semaphore, #tpu.memory_space<semaphore_mem>>) src(%arg9 : memref<128x64xf32, #tpu.memory_space<vmem>>) dst(%dma_wait3A_59 : memref<128x64xf32, #tpu.memory_space<hbm>>)
      tpu.yield
    }) : () -> ()
    return
  }
}

module attributes {stable_mosaic.version = 14 : i64} {
  func.func @_tc_body(%arg0: i32, %arg1: memref<2x1000x64xf32, #tpu.memory_space<vmem>>, %arg2: memref<1000x128xf32, #tpu.memory_space<vmem>>, %arg3: memref<128x128xf32, #tpu.memory_space<vmem>>, %arg4: memref<128x128xf32, #tpu.memory_space<vmem>>, %arg5: memref<128x128xf32, #tpu.memory_space<vmem>>, %arg6: memref<1x128xf32, #tpu.memory_space<vmem>>, %arg7: memref<1x128xf32, #tpu.memory_space<vmem>>, %arg8: memref<1000x128xf32, #tpu.memory_space<vmem>>) attributes {dimension_semantics = [#tpu.dimension_semantics<arbitrary>], iteration_bounds = array<i64: 10>, scalar_prefetch = 0 : i64, scratch_operands = 0 : i64, tpu.core_type = #tpu.core_type<tc>, window_params = [{transform_indices = @transform_0, window_bounds = array<i64: 2, 1000, 64>}, {transform_indices = @transform_1, window_bounds = array<i64: 1000, 128>}, {pipeline_mode = #tpu.pipeline_mode<synchronous>, transform_indices = @transform_2, window_bounds = array<i64: 128, 128>}, {pipeline_mode = #tpu.pipeline_mode<synchronous>, transform_indices = @transform_3, window_bounds = array<i64: 128, 128>}, {pipeline_mode = #tpu.pipeline_mode<synchronous>, transform_indices = @transform_4, window_bounds = array<i64: 128, 128>}, {pipeline_mode = #tpu.pipeline_mode<synchronous>, transform_indices = @transform_5, window_bounds = array<i64: 1, 128>}, {pipeline_mode = #tpu.pipeline_mode<synchronous>, transform_indices = @transform_6, window_bounds = array<i64: 1, 128>}, {transform_indices = @transform_7, window_bounds = array<i64: 1000, 128>}]} {
    %get3A = arith.constant 0 : index
    %get3A_0 = arith.constant 0 : index
    %get3A_1 = vector.load %arg2[%get3A, %get3A_0] : memref<1000x128xf32, #tpu.memory_space<vmem>>, vector<1000x128xf32>
    %get3A_2 = arith.constant 0 : index
    %get3A_3 = arith.constant 0 : index
    %get3A_4 = vector.load %arg3[%get3A_2, %get3A_3] : memref<128x128xf32, #tpu.memory_space<vmem>>, vector<128x128xf32>
    %get3A_5 = arith.constant 0 : index
    %get3A_6 = arith.constant 0 : index
    %get3A_7 = arith.constant 0 : index
    %get3A_8 = vector.load %arg1[%get3A_5, %get3A_6, %get3A_7] : memref<2x1000x64xf32, #tpu.memory_space<vmem>>, vector<1x1000x64xf32>
    %get3A_9 = vector.shape_cast %get3A_8 : vector<1x1000x64xf32> to vector<1000x64xf32>
    %slice3A = vector.extract_strided_slice %get3A_4 {offsets = [0, 0], sizes = [64, 128], strides = [1, 1]} : vector<128x128xf32> to vector<64x128xf32>
    %dot_general3A = arith.constant dense<0.000000e+00> : vector<1000x128xf32>
    %dot_general3A_10 = tpu.matmul %get3A_9, %slice3A, %dot_general3A {dimension_numbers = #tpu.dot_dimension_numbers<[1], [0], [0], [1], [0, 0, 1, 1], [], []>, transpose_lhs_hint = false} : vector<1000x64xf32>, vector<64x128xf32>, vector<1000x128xf32> -> vector<1000x128xf32>
    %get3A_11 = arith.constant 1 : index
    %get3A_12 = arith.constant 0 : index
    %get3A_13 = arith.constant 0 : index
    %get3A_14 = vector.load %arg1[%get3A_11, %get3A_12, %get3A_13] : memref<2x1000x64xf32, #tpu.memory_space<vmem>>, vector<1x1000x64xf32>
    %get3A_15 = vector.shape_cast %get3A_14 : vector<1x1000x64xf32> to vector<1000x64xf32>
    %slice3A_16 = vector.extract_strided_slice %get3A_4 {offsets = [64, 0], sizes = [64, 128], strides = [1, 1]} : vector<128x128xf32> to vector<64x128xf32>
    %dot_general3A_17 = arith.constant dense<0.000000e+00> : vector<1000x128xf32>
    %dot_general3A_18 = tpu.matmul %get3A_15, %slice3A_16, %dot_general3A_17 {dimension_numbers = #tpu.dot_dimension_numbers<[1], [0], [0], [1], [0, 0, 1, 1], [], []>, transpose_lhs_hint = false} : vector<1000x64xf32>, vector<64x128xf32>, vector<1000x128xf32> -> vector<1000x128xf32>
    %add3A = arith.addf %dot_general3A_10, %dot_general3A_18 : vector<1000x128xf32>
    %get3A_19 = arith.constant 0 : index
    %get3A_20 = arith.constant 0 : index
    %get3A_21 = vector.load %arg4[%get3A_19, %get3A_20] : memref<128x128xf32, #tpu.memory_space<vmem>>, vector<128x128xf32>
    %dot_general3A_22 = arith.constant dense<0.000000e+00> : vector<1000x128xf32>
    %dot_general3A_23 = tpu.matmul %get3A_1, %get3A_21, %dot_general3A_22 {dimension_numbers = #tpu.dot_dimension_numbers<[1], [0], [0], [1], [0, 0, 1, 1], [], []>, transpose_lhs_hint = false} : vector<1000x128xf32>, vector<128x128xf32>, vector<1000x128xf32> -> vector<1000x128xf32>
    %add3A_24 = arith.addf %add3A, %dot_general3A_23 : vector<1000x128xf32>
    %get3A_25 = arith.constant 0 : index
    %get3A_26 = arith.constant 0 : index
    %get3A_27 = vector.load %arg6[%get3A_25, %get3A_26] : memref<1x128xf32, #tpu.memory_space<vmem>>, vector<1x128xf32>
    %add3A_28 = vector.broadcast %get3A_27 : vector<1x128xf32> to vector<1000x128xf32>
    %add3A_29 = arith.addf %add3A_24, %add3A_28 : vector<1000x128xf32>
    %max3A = arith.constant 0.000000e+00 : f32
    %max3A_30 = vector.broadcast %max3A : f32 to vector<1000x128xf32>
    %max3A_31 = arith.maximumf %add3A_29, %max3A_30 : vector<1000x128xf32>
    %get3A_32 = arith.constant 0 : index
    %get3A_33 = arith.constant 0 : index
    %get3A_34 = vector.load %arg5[%get3A_32, %get3A_33] : memref<128x128xf32, #tpu.memory_space<vmem>>, vector<128x128xf32>
    %dot_general3A_35 = arith.constant dense<0.000000e+00> : vector<1000x128xf32>
    %dot_general3A_36 = tpu.matmul %max3A_31, %get3A_34, %dot_general3A_35 {dimension_numbers = #tpu.dot_dimension_numbers<[1], [0], [0], [1], [0, 0, 1, 1], [], []>, transpose_lhs_hint = false} : vector<1000x128xf32>, vector<128x128xf32>, vector<1000x128xf32> -> vector<1000x128xf32>
    %get3A_37 = arith.constant 0 : index
    %get3A_38 = arith.constant 0 : index
    %get3A_39 = vector.load %arg7[%get3A_37, %get3A_38] : memref<1x128xf32, #tpu.memory_space<vmem>>, vector<1x128xf32>
    %add3A_40 = vector.broadcast %get3A_39 : vector<1x128xf32> to vector<1000x128xf32>
    %add3A_41 = arith.addf %dot_general3A_36, %add3A_40 : vector<1000x128xf32>
    %swap3A = arith.constant 0 : index
    %swap3A_42 = arith.constant 0 : index
    %swap3A_43 = vector.load %arg8[%swap3A, %swap3A_42] : memref<1000x128xf32, #tpu.memory_space<vmem>>, vector<1000x128xf32>
    tpu.vector_store %arg8[%swap3A, %swap3A_42], %add3A_41 {strides = array<i32>} : memref<1000x128xf32, #tpu.memory_space<vmem>>, vector<1000x128xf32>,
    return
  }
  func.func @transform_0(%arg0: i32) -> (i32, i32, i32) {
    %c0_i32 = arith.constant 0 : i32
    %c0_i32_0 = arith.constant 0 : i32
    %c0_i32_1 = arith.constant 0 : i32
    return %c0_i32, %arg0, %c0_i32_0 : i32, i32, i32
  }
  func.func @transform_1(%arg0: i32) -> (i32, i32) {
    %c0_i32 = arith.constant 0 : i32
    %c0_i32_0 = arith.constant 0 : i32
    return %arg0, %c0_i32 : i32, i32
  }
  func.func @transform_2(%arg0: i32) -> (i32, i32) {
    %c0_i32 = arith.constant 0 : i32
    %c0_i32_0 = arith.constant 0 : i32
    %c0_i32_1 = arith.constant 0 : i32
    return %c0_i32, %c0_i32_0 : i32, i32
  }
  func.func @transform_3(%arg0: i32) -> (i32, i32) {
    %c0_i32 = arith.constant 0 : i32
    %c0_i32_0 = arith.constant 0 : i32
    %c0_i32_1 = arith.constant 0 : i32
    return %c0_i32, %c0_i32_0 : i32, i32
  }
  func.func @transform_4(%arg0: i32) -> (i32, i32) {
    %c0_i32 = arith.constant 0 : i32
    %c0_i32_0 = arith.constant 0 : i32
    %c0_i32_1 = arith.constant 0 : i32
    return %c0_i32, %c0_i32_0 : i32, i32
  }
  func.func @transform_5(%arg0: i32) -> (i32, i32) {
    %c0_i32 = arith.constant 0 : i32
    %c0_i32_0 = arith.constant 0 : i32
    %c0_i32_1 = arith.constant 0 : i32
    return %c0_i32, %c0_i32_0 : i32, i32
  }
  func.func @transform_6(%arg0: i32) -> (i32, i32) {
    %c0_i32 = arith.constant 0 : i32
    %c0_i32_0 = arith.constant 0 : i32
    %c0_i32_1 = arith.constant 0 : i32
    return %c0_i32, %c0_i32_0 : i32, i32
  }
  func.func @transform_7(%arg0: i32) -> (i32, i32) {
    %c0_i32 = arith.constant 0 : i32
    %c0_i32_0 = arith.constant 0 : i32
    return %arg0, %c0_i32 : i32, i32
  }
}

</mosaic_0001>

<sc_bundles>
// kernel: kernel.4.cloned.1.call-start
scs
__scs_entry_jumppad:
0x0: {  	(pc) =	sbr.rel $0x88, $3  }
0x1: {  	(tag) =	ssettag $0x0;
	lr =	simm.s32 $0x1  }
0x2: {  	[smem:$0x3F95] =	sst lr;
	_ =	strace $0xD0000000  }
0x3: {  	_ = 	snop  }
0x4: {  	_ = 	snop  }
0x5: {  	_ = 	snop  }
0x6: {  	_ = 	snop  }
0x7: {  	_ = 	snop  }
__scs_overlays_trampoline_lowered:
0x8: {  	[smem:$0x3FA4] =	sst s0  }
0x9: {  	[smem:$0x3FA5] =	sst s1  }
0xa: {  	[smem:$0x3FA6] =	sst s2  }
0xb: {  	[smem:$0x3FA7] =	sst s3  }
0xc: {  	[smem:$0x3FA8] =	sst s4  }
0xd: {  	[smem:$0x3FA9] =	sst s5  }
0xe: {  	[smem:$0x3FAA] =	sst s6  }
0xf: {  	[smem:$0x3FAB] =	sst s7  }
0x10: {  	[smem:$0x3FAC] =	sst s8  }
0x11: {  	[smem:$0x3FAD] =	sst s9;
	s0 =	simm.s32 @!p0 $0x0  }
0x12: {  	s1 =	sld [smem:$0x3F93];
	s0 =	simm.s32 @p0 $0x1  }
0x13: {  	[smem:$0x3FAE] =	sst s0;
	s0 =	simm.s32 @!p1 $0x0  }
0x14: {  	s2 =	sld [smem:$0x3F92];
	s0 =	simm.s32 @p1 $0x1  }
0x15: {  	[smem:$0x3FAF] =	sst s0;
	s0 =	simm.s32 @!p2 $0x0  }
0x16: {  	s3 =	sld [smem:$0x3FDB];
	s0 =	simm.s32 @p2 $0x1  }
0x17: {  	s4 =	simm.s32 $0x1BF5;
	[smem:$0x3FB1] =	sst s0  }
0x18: {  	s0 =	sld [smem:$0x3F94];
	_ =	swait.ge [sflag:s4], $0x0  }
0x19: {  	s7 =	sld [smem:$0x3F95]  }
0x1a: {  	s8 =	sadd.s32 $0xFFFFE003, lr  }
0x1b: {  	s9 =	sadd.s32 $0xFFFFFEF7, lr;
	s5 =	simm.s32 $0xFFFFFFFF;
	p2 =	slt.u32 s8, $0xFFFFF086  }
0x1c: {  	p1 =	slt.u32 s9, $0xF7A;
	s5 =	simm.s32 @!p2 $0x0  }
0x1d: {  	s5 =	simm.s32 @p1 $0x1;
	p0 =	seq.s32 s7, s2  }
0x1e: {  	s7 =	smul.u32 @!p0 $0xF7A, s2;
	p2 =	seq.s32 @!p0 s5, $0x0  }
0x1f: {  	s9 =	smul.u32 $0xF7A, s1;
	s8 =	simm.s32 @!p0 $0x1BF5;
	p2 =	por !p2, p0  }
0x20: {  	[sflag:s8] =	ssyncset.s32 @!p0 $0xFFFFF086;
	s6 =	sadd.s32 @!p0 s3, s7;
	s7 =	simm.s32 @!p0 $0x108  }
0x21: {  	s3 =	sadd.s32 s3, s9;
	s6 =	sadd.s32 @!p0 $0x88, s6;
	s7 =	simm.s32 @p2 $0x1082  }
0x22: {  	[simem:s7], [sflag:s8] =	dma.local @!p0 [hbm:s6], $0xF7A  }
0x23: {  	s9 =	sor.u32 $0xD0000000, s2;
	s6 =	simm.s32 $0x108;
	_ =	swait.ge @!p0 [sflag:s8], $0x0  }
0x24: {  	s3 =	sadd.s32 $0x88, s3;
	s6 =	simm.s32 @!p1 $0x1082;
	[sflag:s4] =	ssyncset.s32 $0xFFFFF086  }
0x25: {  	[simem:s6], [sflag:s4] =	dma.local [hbm:s3], $0xF7A  }
0x26: {  	[smem:$0x3F95] =	sst s1;
	(tag) =	ssettag s2;
	_ =	strace s9  }
0x27: {  	s1 =	sld [smem:$0x3FA5]  }
0x28: {  	s2 =	sld [smem:$0x3FA6]  }
0x29: {  	s4 =	sld [smem:$0x3FA8]  }
0x2a: {  	p0 =	seq.s32 s5, $0x0;
	s5 =	sld [smem:$0x3FA9]  }
0x2b: {  	s6 =	sld [smem:$0x3FAA]  }
0x2c: {  	s7 =	sld [smem:$0x3FAB]  }
0x2d: {  	s3 =	simm.s32 $0x108;
	s8 =	sld [smem:$0x3FAC]  }
0x2e: {  	s3 =	simm.s32 @!p0 $0x1082;
	s9 =	sld [smem:$0x3FAD]  }
0x2f: {  	lr =	sadd.s32 s0, s3;
	s0 =	sld [smem:$0x3FA4]  }
0x30: {  	s3 =	sld [smem:$0x3FA7]  }
0x31: {  	[smem:$0x3FB0] =	sst s10  }
0x32: {  	s10 =	sld [smem:$0x3FAE];
	_ =	sdelay $0x3  }
0x33: {  	p0 =	seq.s32 s10, $0x1;
	s10 =	sld [smem:$0x3FB0];
	_ =	sdelay $0x3  }
0x34: {  	[smem:$0x3FB0] =	sst s10  }
0x35: {  	s10 =	sld [smem:$0x3FAF];
	_ =	sdelay $0x3  }
0x36: {  	p1 =	seq.s32 s10, $0x1;
	s10 =	sld [smem:$0x3FB0];
	_ =	sdelay $0x3  }
0x37: {  	[smem:$0x3FB0] =	sst s10  }
0x38: {  	s10 =	sld [smem:$0x3FB1]  }
0x39: {  	_ = 	snop;
	(pc) =	sbr.ind lr, $3  }
0x3a: {  	_ = 	snop  }
0x3b: {  	_ = 	snop  }
0x3c: {  	p2 =	seq.s32 s10, $0x1;
	s10 =	sld [smem:$0x3FB0]  }
0x3d: {  	_ =	shalt  }
0x3e: {  	_ =	shalt  }
0x3f: {  	_ =	shalt  }
0x40: {  	_ =	shalt  }
0x41: {  	_ =	shalt  }
0x42: {  	_ =	shalt  }
0x43: {  	_ =	shalt  }
0x44: {  	_ =	shalt  }
0x45: {  	_ =	shalt  }
0x46: {  	_ =	shalt  }
0x47: {  	_ =	shalt  }
0x48: {  	_ =	shalt  }
0x49: {  	_ =	shalt  }
0x4a: {  	_ =	shalt  }
0x4b: {  	_ =	shalt  }
0x4c: {  	_ =	shalt  }
0x4d: {  	_ =	shalt  }
0x4e: {  	_ =	shalt  }
0x4f: {  	_ =	shalt  }
0x50: {  	_ =	shalt  }
0x51: {  	_ =	shalt  }
0x52: {  	_ =	shalt  }
0x53: {  	_ =	shalt  }
0x54: {  	_ =	shalt  }
0x55: {  	_ =	shalt  }
0x56: {  	_ =	shalt  }
0x57: {  	_ =	shalt  }
0x58: {  	_ =	shalt  }
0x59: {  	_ =	shalt  }
0x5a: {  	_ =	shalt  }
0x5b: {  	_ =	shalt  }
0x5c: {  	_ =	shalt  }
0x5d: {  	_ =	shalt  }
0x5e: {  	_ =	shalt  }
0x5f: {  	_ =	shalt  }
0x60: {  	_ =	shalt  }
0x61: {  	_ =	shalt  }
0x62: {  	_ =	shalt  }
0x63: {  	_ =	shalt  }
0x64: {  	_ =	shalt  }
0x65: {  	_ =	shalt  }
0x66: {  	_ =	shalt  }
0x67: {  	_ =	shalt  }
0x68: {  	_ =	shalt  }
0x69: {  	_ =	shalt  }
0x6a: {  	_ =	shalt  }
0x6b: {  	_ =	shalt  }
0x6c: {  	_ =	shalt  }
0x6d: {  	_ =	shalt  }
0x6e: {  	_ =	shalt  }
0x6f: {  	_ =	shalt  }
0x70: {  	_ =	shalt  }
0x71: {  	_ =	shalt  }
0x72: {  	_ =	shalt  }
0x73: {  	_ =	shalt  }
0x74: {  	_ =	shalt  }
0x75: {  	_ =	shalt  }
0x76: {  	_ =	shalt  }
0x77: {  	_ =	shalt  }
0x78: {  	_ =	shalt  }
0x79: {  	_ =	shalt  }
0x7a: {  	_ =	shalt  }
0x7b: {  	_ =	shalt  }
0x7c: {  	_ =	shalt  }
0x7d: {  	_ =	shalt  }
0x7e: {  	_ =	shalt  }
0x7f: {  	_ =	shalt  }
0x80: {  	_ =	shalt  }
0x81: {  	_ =	shalt  }
0x82: {  	_ =	shalt  }
0x83: {  	_ =	shalt  }
0x84: {  	_ =	shalt  }
0x85: {  	_ =	shalt  }
0x86: {  	_ =	shalt  }
0x87: {  	_ =	shalt  }
.Lfunc_end0:
.L_simem_size_0:
called_computation_lowered:
.L_overlay_start_0:
0x88: {  	s2 =	sld [smem:$0x3FD9]  }
0x89: {  	s3 =	sld [smem:$0x3FFE];
	_ =	sdelay $0x1  }
0x8a: {  	s1 =	srdreg.scid  }
0x8b: {  	s0 =	sand.u32 $0x1, s1  }
0x8c: {  	s17 =	sshll.u32 s0, $0xA;
	s2 =	sadd.s32 s3, s2  }
0x8d: {  	s2 =	sadd.s32 s2, s17  }
0x8e: {  	[smem:$0x3FBC] =	sst s2  }
0x8f: {  	_ = 	snop  }
0x90: {  	s2 =	sld [smem:$0x3FC9]  }
0x91: {  	s18 =	sld [smem:$0x3FD0];
	(tm) =	ssettm $0x1  }
0x92: {  	s4 =	sld [smem:$0x3FFB];
	_ =	sdelay $0x3  }
0x93: {  	_ =	strace s4  }
0x94: {  	s4 =	sld [smem:$0x3FFC];
	_ =	sdelay $0x3  }
0x95: {  	_ =	strace s4  }
0x96: {  	s4 =	sld [smem:$0x3FFD];
	_ =	sdelay $0x3  }
0x97: {  	_ =	strace s4  }
0x98: {  	_ =	strace $0x8FFFFFFF  }
0x99: {  	s19 =	sld [smem:$0x3FDB];
	_ =	sdelay $0x1  }
0x9a: {  	s5 =	simm.s32 $_scs_section_size  }
0x9b: {  	s6 =	simm.s32 $_size__tile_overlayer_lowered;
	s7 =	simm.s32 $_tile_overlayer_lowered  }
0x9c: {  	s22 =	simm.s32 $0x1BFF;
	s21 =	sshll.u32 s7, $0x1;
	s4 =	sadd.s32 s5, s19  }
0x9d: {  	s8 =	simm.s32 $0x0;
	s20 =	sshll.u32 s6, $0x1;
	s6 =	sadd.s32 s21, s4  }
0x9e: {  	[timem:s8], [sflag:s22] =	dma.local [hbm:s6], s20  }
0x9f: {  	_ =	swait.ge [sflag:s22], s20  }
0xa0: {  	s5 =	ssub.s32 $0x0, s20;
	[sflag:s22] =	ssyncset.done $0x0  }
0xa1: {  	[sflag:s22] =	ssyncadd.s32 s5;
	_ =	sdelay $0x1  }
0xa2: {  	s23 =	simm.s32 $0x1B8B  }
0xa3: {  	_ =	swait.ge [sflag:s23], $0x1  }
0xa4: {  	[sflag:s23] =	ssyncset.done $0x0  }
0xa5: {  	s25 =	simm.s32 $0x1B8E;
	s24 =	sld [smem:$0x3FFE];
	[sflag:s23] =	ssyncadd.s32 $0xFFFFFFFF  }
0xa6: {  	s26 =	simm.s32 $execute0_lowered;
	[smem:$0x3FD2] =	sst s25  }
0xa7: {  	s6 =	sshll.u32 s26, $0x1;
	_ =	strace $0x80000046;
	[dreg:$0x1] =	wrdreg $0xFFFFFFFF  }
0xa8: {  	s28 =	simm.s32 $_size_execute0_lowered;
	s4 =	sadd.s32 s4, s6;
	[dreg:$0x0] =	wrdreg $0x0  }
0xa9: {  	s6 =	sshll.u32 s28, $0x1;
	[dreg:$0x2] =	wrdreg s4  }
0xaa: {  	[dreg:$0x3] =	wrdreg s6  }
0xab: {  	[dreg:$0x4] =	wrdreg $0xC0  }
0xac: {  	_ =	task [dreg:s8], $0x5FFFF  }
0xad: {  	[dreg:$0x1] =	wrdreg $0xFFFFFFFF  }
0xae: {  	[dreg:$0x0] =	wrdreg $0x60  }
0xaf: {  	[dreg:$0x2] =	wrdreg s2  }
0xb0: {  	[dreg:$0x3] =	wrdreg s18  }
0xb1: {  	[dreg:$0x4] =	wrdreg s24  }
0xb2: {  	[dreg:$0x5] =	wrdreg $0xA8000  }
0xb3: {  	[dreg:$0x6] =	wrdreg $0x144400  }
0xb4: {  	[dreg:$0x7] =	wrdreg $0x9  }
0xb5: {  	_ =	task.clear_ibuf [dreg:s8], $0x8FFFF;
	_ =	strace $0x90000046  }
0xb6: {  	s29 =	simm.s32 $0x9;
	_ =	strace $0x80000048  }
0xb7: {  	_ =	swait.ge [sflag:s29], $0x1  }
0xb8: {  	[sflag:s29] =	ssyncadd.s32 $0xFFFFFFFF  }
0xb9: {  	_ =	strace $0x90000048  }
0xba: {  	_ =	sfence  }
0xbb: {  	s30 =	sld [smem:$0x0];
	_ =	sdelay $0x2  }
0xbc: {  	s31 =	sshll.u32 s1, $0xD;
	s1 =	sshrl.u32 s1, $0x2  }
0xbd: {  	s3 =	sand.u32 $0x4000, s31;
	s1 =	sadd.s32 s1, s30  }
0xbe: {  	s0 =	sor.u32 s3, s0;
	s1 =	sshll.u32 s1, $0x11  }
0xbf: {  	s0 =	sor.u32 s1, s0  }
0xc0: {  	s0 =	sadd.s32 $0x8F2B, s0  }
0xc1: {  	[sflag:s0] =	ssyncadd.remote.s32 $0x1  }
0xc2: {  	_ =	sfence.sel $0xFFFF  }
0xc3: {  	[dreg:$0x0] =	wrdreg $0xFFFFFFFF;
	(pc) =	sbr.abs _section_cstart, $3  }
0xc4: {  	[dreg:$0x1] =	wrdreg $0xFFFFFFFF  }
0xc5: {  	_ =	task.clear_ibuf [dreg:s8], $0x2FFFF;
	_ =	strace $0x9FFFFFFF  }
0xc6: {  	(tm) =	ssettm $0x7FFFFFFF  }
0xc7: {  	_ =	shalt  }
tec
execute0_lowered:
.L_overlay_start_1:
0x0: {  	(tag) =	ssettag $0x1  }
0x1: {  	s0 =	rddreg [dreg:$0x0]  }
0x2: {  	s1 =	rddreg [dreg:$0x1]  }
0x3: {  	s4 =	rddreg [dreg:$0x2]  }
0x4: {  	s2 =	rddreg [dreg:$0x3]  }
0x5: {  	s3 =	rddreg [dreg:$0x4]  }
0x6: {  	s5 =	simm.s32 $0x0;
	s7 =	srdreg.scid;
	s21 =	stileid.u32  }
0x7: {  	s28 =	simm.s32 $0x80;
	s29 =	simm.s32 $0x4800;
	s30 =	simm.s32 $0x6800  }
0x8: {  	s31 =	simm.s32 $0x8800;
	[smem:$0x7FF] =	sst s5;
	s8 =	smul.u32 $0x13C00, s21  }
0x9: {  	s6 =	sadd.s32 $0x1800, s4;
	s7 =	sand.u32 $0x1, s7;
	s10 =	smul.u32 $0x27800, s21  }
0xa: {  	s9 =	sadd.s32 $0xB800, s4;
	s4 =	sadd.s32 $0xBC00, s4;
	s14 =	smul.u32 $0xA000, s21  }
0xb: {  	p0 =	seq.s32 s21, $0xF;
	_ =	strace $0x80000047;
	[dreg:$0x6] =	wrdreg s9  }
0xc: {  	s24 =	ssub.s32 $0x2, s7;
	s12 =	sshll.u32 s7, $0x6;
	s25 =	sshll.u32 s7, $0x3  }
0xd: {  	s7 =	smul.u32 $0xA0000, s7;
	s11 =	sshrl.u32 s24, $0x1;
	s8 =	sor.u32 s12, s8  }
0xe: {  	s12 =	simm.s32 $0x0;
	s10 =	sshrl.u32 s10, $0x2;
	s26 =	sadd.s32 $0x2000, s14  }
0xf: {  	s17 =	sadd.s32 $0x4000, s14;
	s18 =	sadd.s32 $0x6000, s14;
	s19 =	sadd.s32 $0x8000, s14  }
0x10: {  	s9 =	ssub.s32 s24, s11;
	s8 =	sshrl.u32 s8, $0x3;
	s16 =	sadd.s32 s10, s2  }
0x11: {  	s11 =	sadd.s32 s14, s3;
	s13 =	sadd.s32 s26, s3;
	s5 =	sadd.s32 s17, s3  }
0x12: {  	s10 =	sadd.s32 s18, s3;
	s15 =	sadd.s32 s14, s7;
	s14 =	sadd.s32 s19, s3  }
0x13: {  	s22 =	sadd.s32 s7, s17;
	s23 =	sadd.s32 s7, s18;
	[dreg:$0x9] =	wrdreg s5  }
0x14: {  	s18 =	simm.s32 $0x8;
	s8 =	sadd.s32 s0, s8;
	[dreg:$0xa] =	wrdreg s10  }
0x15: {  	s0 =	sadd.s32 s25, s0;
	s20 =	sshrl.u32 s15, $0x3;
	[dreg:$0xb] =	wrdreg s13  }
0x16: {  	s15 =	smul.u32 $0x5000, s21;
	s17 =	sshrl.u32 s23, $0x3;
	[dreg:$0x15] =	wrdreg s14  }
0x17: {  	[dreg:$0x7] =	wrdreg s8;
	s8 =	sadd.s32 $0x94200, s2;
	s0 =	sadd.s32 $0x25080, s0  }
0x18: {  	s20 =	sadd.s32 s4, s20;
	s24 =	sadd.s32 s4, s17;
	[dreg:$0x8] =	wrdreg s0  }
0x19: {  	s17 =	simm.s32 $0x7;
	s0 =	sadd.s32 s7, s26;
	[dreg:$0xc] =	wrdreg s20  }
0x1a: {  	s7 =	sadd.s32 s7, s19;
	[dreg:$0xf] =	wrdreg s24;
	s26 =	smax.u32 s9, $0x1  }
0x1b: {  	s24 =	simm.s32 $0x2800;
	s9 =	simm.s32 $0x5;
	s0 =	sshrl.u32 s0, $0x3  }
0x1c: {  	s20 =	simm.s32 $0x0;
	[dreg:$0x11] =	wrdreg s26;
	s0 =	sadd.s32 s4, s0  }
0x1d: {  	s25 =	sshrl.u32 s7, $0x3;
	[dreg:$0xd] =	wrdreg s0;
	s0 =	sshrl.u32 s22, $0x3  }
0x1e: {  	s26 =	simm.s32 $0x1400;
	s7 =	simm.s32 $0x3;
	s0 =	sadd.s32 s4, s0  }
0x1f: {  	[dreg:$0xe] =	wrdreg s0;
	s0 =	sadd.s32 s4, s25;
	s25 =	simm.s32 $0x9  }
0x20: {  	s4 =	simm.s32 $0x2;
	[dreg:$0x10] =	wrdreg s0;
	s0 =	sshrl.u32 @p0 s8, $0x3  }
0x21: {  	s8 =	simm.s32 $0x4;
	[dreg:$0x12] =	wrdreg s0;
	s0 =	sshrl.u32 @!p0 s16, $0x3  }
0x22: {  	s16 =	simm.s32 $0x6;
	[dreg:$0x13] =	wrdreg s0;
	s0 =	simm.s32 $0x1  }
.LBB2_1:
0x23: {  	[dreg:$0x14] =	wrdreg s20;
	s22 =	simm.s32 @p0 $0x10  }
0x24: {  	s23 =	simm.s32 @p0 $0x1FC9;
	s14 =	smov.u32 s10;
	s10 =	rddreg [dreg:$0x8]  }
0x25: {  	s20 =	rddreg [dreg:$0x12];
	s21 =	simm.s32 @p0 $0x1;
	s19 =	simm.s32 @p0 $0x8  }
0x26: {  	[spmem:s20@s19], [sflag:s23] =	dma.strided @p0 [hbm:s10@s22], $0x1040, s21, $0x8   }
0x27: {  	s20 =	simm.s32 @p0 $0x9;
	s10 =	stileid.u32;
	s19 =	simm.s32 @!p0 $0x1  }
0x28: {  	s22 =	simm.s32 @!p0 $0x8;
	s23 =	simm.s32 @!p0 $0x10;
	_ =	swait.ge @p0 [sflag:s20], $0x1040  }
0x29: {  	s21 =	sshll.u32 @!p0 s10, $0x6;
	[sflag:s20] =	ssyncset.done @p0 $0x0;
	s10 =	rddreg [dreg:$0x7]  }
0x2a: {  	[sflag:s20] =	ssyncadd.s32 @p0 $0xFFFFEFC0;
	s20 =	sor.u32 @!p0 $0x1C09, s21;
	s21 =	rddreg [dreg:$0x13]  }
0x2b: {  	[spmem:s21@s22], [sflag:s20] =	dma.strided @!p0 [hbm:s10@s23], $0x13C0, s19, $0x8   }
0x2c: {  	s20 =	simm.s32 @!p0 $0x9  }
0x2d: {  	_ =	swait.ge @!p0 [sflag:s20], $0x13C0  }
0x2e: {  	[sflag:s20] =	ssyncset.done @!p0 $0x0  }
0x2f: {  	s23 =	rddreg [dreg:$0x6];
	[sflag:s20] =	ssyncadd.s32 @!p0 $0xFFFFEC40  }
0x30: {  	[tilespmem:s24], [sflag:$0x9] =	stream.linear.gather [hbm4b:s23+s12], $0x2000, $0x38;
	[tilespmem:$0x1E440] =	vst v63  }
0x31: {  	_ =	swait.ge [sflag:s25], $0x2000  }
0x32: {  	[sflag:s25] =	ssyncset.done $0x0  }
0x33: {  	[sflag:s25] =	ssyncadd.s32 $0xFFFFE000  }
0x34: {  	[spmem:s11] =	stream.linear.scatter [tilespmem:s24], [sflag:$0x9], $0x2000, $0x38;
	[tilespmem:$0x1E440] =	vst v63  }
0x35: {  	_ =	swait.ge [sflag:s25], $0x2000  }
0x36: {  	[sflag:s25] =	ssyncset.done $0x0  }
0x37: {  	[sflag:s25] =	ssyncadd.s32 $0xFFFFE000  }
0x38: {  	[spmem:s13] =	stream.linear.scatter [tilespmem:s24], [sflag:$0x9], $0x2000, $0x38;
	[tilespmem:$0x1E440] =	vst v63  }
0x39: {  	_ =	swait.ge [sflag:s25], $0x2000  }
0x3a: {  	[sflag:s25] =	ssyncset.done $0x0  }
0x3b: {  	[sflag:s25] =	ssyncadd.s32 $0xFFFFE000  }
0x3c: {  	[spmem:s5] =	stream.linear.scatter [tilespmem:s24], [sflag:$0x9], $0x2000, $0x38;
	[tilespmem:$0x1E440] =	vst v63  }
0x3d: {  	_ =	swait.ge [sflag:s25], $0x2000  }
0x3e: {  	[sflag:s25] =	ssyncset.done $0x0  }
0x3f: {  	[sflag:s25] =	ssyncadd.s32 $0xFFFFE000  }
0x40: {  	[spmem:s14] =	stream.linear.scatter [tilespmem:s24], [sflag:$0x9], $0x2000, $0x38;
	[tilespmem:$0x1E440] =	vst v63  }
0x41: {  	s14 =	rddreg [dreg:$0x15];
	_ =	swait.ge [sflag:s25], $0x2000  }
0x42: {  	[sflag:s25] =	ssyncset.done $0x0  }
0x43: {  	[sflag:s25] =	ssyncadd.s32 $0xFFFFE000  }
0x44: {  	[spmem:s14] =	stream.linear.scatter [tilespmem:s24], [sflag:$0x9], $0x2000, $0x38;
	[tilespmem:$0x1E440] =	vst v63  }
0x45: {  	_ =	swait.ge [sflag:s25], $0x2000  }
0x46: {  	[sflag:s25] =	ssyncset.done $0x0  }
0x47: {  	[sflag:s25] =	ssyncadd.s32 $0xFFFFE000  }
0x48: {  	s20 =	simm.s32 $0x0;
	s12 =	smov.u32 s11;
	[bflag:$0x0] =	sbarrier.arrive $0xFFFF  }
.LBB2_2:
0x49: {  	s21 =	smul.u32 $0x1400, s20;
	_ =	sdelay $0x1  }
0x4a: {  	s21 =	sadd.s32 s15, s21  }
0x4b: {  	s21 =	sshrl.u32 s21, $0x3  }
0x4c: {  	s23 =	simm.s32 $0x0;
	s22 =	sadd.s32 s1, s21  }
0x4d: {  	[tilespmem:s23], [sflag:$0x9] =	stream.linear.gather [hbm4b:s22+s23], $0x1400, $0x38;
	[tilespmem:$0x1E440] =	vst v63  }
0x4e: {  	_ =	swait.ge [sflag:s25], $0x1400  }
0x4f: {  	[sflag:s25] =	ssyncset.done $0x0  }
0x50: {  	s21 =	sadd.s32 s6, s21;
	[sflag:s25] =	ssyncadd.s32 $0xFFFFEC00  }
0x51: {  	[tilespmem:s26], [sflag:$0x9] =	stream.linear.gather [hbm4b:s21+s23], $0x1400, $0x38;
	[tilespmem:$0x1E440] =	vst v63  }
0x52: {  	_ =	swait.ge [sflag:s25], $0x1400  }
0x53: {  	[sflag:s25] =	ssyncset.done $0x0  }
0x54: {  	s23 =	simm.s32 $0x0;
	[sflag:s25] =	ssyncadd.s32 $0xFFFFEC00  }
0x55: {  	[tilespmem:s24], [sflag:$0x1] =	stream.indirect.gather [spmem:s2], $0x40, s23, s28, $0xb8;
	[tilespmem:$0x1E440] =	vst v63  }
0x56: {  	s5 =	simm.s32 $0x80  }
0x57: {  	[tilespmem:s29], [sflag:$0x2] =	stream.indirect.gather [spmem:s2], $0x40, s5, s28, $0xb8;
	[tilespmem:$0x1E440] =	vst v63  }
0x58: {  	s10 =	simm.s32 $0x100  }
0x59: {  	[tilespmem:s30], [sflag:$0x3] =	stream.indirect.gather [spmem:s2], $0x40, s10, s28, $0xb8;
	[tilespmem:$0x1E440] =	vst v63  }
0x5a: {  	s11 =	simm.s32 $0x180  }
0x5b: {  	[tilespmem:s31], [sflag:$0x4] =	stream.indirect.gather [spmem:s2], $0x40, s11, s28, $0xb8;
	[tilespmem:$0x1E440] =	vst v63  }
0x5c: {  	_ =	swait.ge [sflag:s0], $0x2000  }
0x5d: {  	[sflag:s0] =	ssyncset.done $0x0  }
0x5e: {  	s13 =	simm.s32 $0x1400;
	[sflag:s0] =	ssyncadd.s32 $0xFFFFE000  }
0x5f: {  	[spmem:s3] =	stream.indirect.scatter.add.f32 [tilespmem:s24], [sflag:$0x5], $0x40, s13, s28, $0xb8;
	[tilespmem:$0x1E440] =	vst v63  }
0x60: {  	_ =	swait.ge [sflag:s4], $0x2000  }
0x61: {  	[sflag:s4] =	ssyncset.done $0x0  }
0x62: {  	s19 =	simm.s32 $0x1480;
	[sflag:s4] =	ssyncadd.s32 $0xFFFFE000  }
0x63: {  	[spmem:s3] =	stream.indirect.scatter.add.f32 [tilespmem:s29], [sflag:$0x6], $0x40, s19, s28, $0xb8;
	[tilespmem:$0x1E440] =	vst v63  }
0x64: {  	_ =	swait.ge [sflag:s7], $0x2000  }
0x65: {  	[sflag:s7] =	ssyncset.done $0x0  }
0x66: {  	s22 =	simm.s32 $0x1500;
	[sflag:s7] =	ssyncadd.s32 $0xFFFFE000  }
0x67: {  	[spmem:s3] =	stream.indirect.scatter.add.f32 [tilespmem:s30], [sflag:$0x7], $0x40, s22, s28, $0xb8;
	[tilespmem:$0x1E440] =	vst v63  }
0x68: {  	_ =	swait.ge [sflag:s8], $0x2000  }
0x69: {  	[sflag:s8] =	ssyncset.done $0x0  }
0x6a: {  	s23 =	simm.s32 $0x1580;
	[sflag:s8] =	ssyncadd.s32 $0xFFFFE000  }
0x6b: {  	[spmem:s3] =	stream.indirect.scatter.add.f32 [tilespmem:s31], [sflag:$0x8], $0x40, s23, s28, $0xb8;
	[tilespmem:$0x1E440] =	vst v63  }
0x6c: {  	_ =	swait.ge [sflag:s9], $0x2000  }
0x6d: {  	[sflag:s9] =	ssyncset.done $0x0  }
0x6e: {  	[sflag:s9] =	ssyncadd.s32 $0xFFFFE000  }
0x6f: {  	_ =	swait.ge [sflag:s16], $0x2000  }
0x70: {  	[sflag:s16] =	ssyncset.done $0x0  }
0x71: {  	[sflag:s16] =	ssyncadd.s32 $0xFFFFE000  }
0x72: {  	_ =	swait.ge [sflag:s17], $0x2000  }
0x73: {  	[sflag:s17] =	ssyncset.done $0x0  }
0x74: {  	[sflag:s17] =	ssyncadd.s32 $0xFFFFE000  }
0x75: {  	_ =	swait.ge [sflag:s18], $0x2000  }
0x76: {  	s21 =	simm.s32 $0x800;
	s22 =	simm.s32 $0x1000;
	[sflag:s18] =	ssyncset.done $0x0  }
.LBB2_3:
0x77: {  	s10 =	sshra.s32 s21, $0x2  }
0x78: {  	[sflag:s18] =	ssyncadd.s32 $0xFFFFE000;
	s21 =	smov.u32 s22;
	s23 =	sadd.s32 $0x800, s22  }
0x79: {  	[tilespmem:s24], [sflag:$0x1] =	stream.indirect.gather [spmem:s2], $0x40, s10, s28, $0xb8;
	[tilespmem:$0x1E440] =	vst v63  }
0x7a: {  	p1 =	sne.s32 s22, $0x4800;
	s22 =	sadd.s32 $0x80, s10  }
0x7b: {  	[tilespmem:s29], [sflag:$0x2] =	stream.indirect.gather [spmem:s2], $0x40, s22, s28, $0xb8;
	[tilespmem:$0x1E440] =	vst v63  }
0x7c: {  	s22 =	sadd.s32 $0x100, s10  }
0x7d: {  	[tilespmem:s30], [sflag:$0x3] =	stream.indirect.gather [spmem:s2], $0x40, s22, s28, $0xb8;
	[tilespmem:$0x1E440] =	vst v63  }
0x7e: {  	s22 =	sadd.s32 $0x180, s10  }
0x7f: {  	[tilespmem:s31], [sflag:$0x4] =	stream.indirect.gather [spmem:s2], $0x40, s22, s28, $0xb8;
	[tilespmem:$0x1E440] =	vst v63  }
0x80: {  	_ =	swait.ge [sflag:s0], $0x2000  }
0x81: {  	[sflag:s0] =	ssyncset.done $0x0  }
0x82: {  	s22 =	sadd.s32 $0x1400, s10;
	[sflag:s0] =	ssyncadd.s32 $0xFFFFE000  }
0x83: {  	[spmem:s3] =	stream.indirect.scatter.add.f32 [tilespmem:s24], [sflag:$0x5], $0x40, s22, s28, $0xb8;
	[tilespmem:$0x1E440] =	vst v63  }
0x84: {  	_ =	swait.ge [sflag:s4], $0x2000  }
0x85: {  	[sflag:s4] =	ssyncset.done $0x0  }
0x86: {  	s22 =	sadd.s32 $0x1480, s10;
	[sflag:s4] =	ssyncadd.s32 $0xFFFFE000  }
0x87: {  	[spmem:s3] =	stream.indirect.scatter.add.f32 [tilespmem:s29], [sflag:$0x6], $0x40, s22, s28, $0xb8;
	[tilespmem:$0x1E440] =	vst v63  }
0x88: {  	_ =	swait.ge [sflag:s7], $0x2000  }
0x89: {  	[sflag:s7] =	ssyncset.done $0x0  }
0x8a: {  	s22 =	sadd.s32 $0x1500, s10;
	[sflag:s7] =	ssyncadd.s32 $0xFFFFE000  }
0x8b: {  	[spmem:s3] =	stream.indirect.scatter.add.f32 [tilespmem:s30], [sflag:$0x7], $0x40, s22, s28, $0xb8;
	[tilespmem:$0x1E440] =	vst v63  }
0x8c: {  	_ =	swait.ge [sflag:s8], $0x2000  }
0x8d: {  	[sflag:s8] =	ssyncset.done $0x0  }
0x8e: {  	s10 =	sadd.s32 $0x1580, s10;
	[sflag:s8] =	ssyncadd.s32 $0xFFFFE000  }
0x8f: {  	[spmem:s3] =	stream.indirect.scatter.add.f32 [tilespmem:s31], [sflag:$0x8], $0x40, s10, s28, $0xb8;
	[tilespmem:$0x1E440] =	vst v63  }
0x90: {  	_ =	swait.ge [sflag:s9], $0x2000  }
0x91: {  	[sflag:s9] =	ssyncset.done $0x0  }
0x92: {  	[sflag:s9] =	ssyncadd.s32 $0xFFFFE000  }
0x93: {  	_ =	swait.ge [sflag:s16], $0x2000  }
0x94: {  	[sflag:s16] =	ssyncset.done $0x0  }
0x95: {  	[sflag:s16] =	ssyncadd.s32 $0xFFFFE000  }
.Ltmp0:
0x96: {  	_ =	swait.ge [sflag:s17], $0x2000;
	(pc) =	sbr.rel @p1 .LBB2_3-.Ltmp0, $4  }
0x97: {  	[sflag:s17] =	ssyncset.done $0x0  }
0x98: {  	[sflag:s17] =	ssyncadd.s32 $0xFFFFE000  }
0x99: {  	_ =	swait.ge [sflag:s18], $0x2000  }
0x9a: {  	s22 =	smov.u32 s23;
	[sflag:s18] =	ssyncset.done $0x0  }
0x9b: {  	s10 =	sshra.s32 s21, $0x2;
	[sflag:s18] =	ssyncadd.s32 $0xFFFFE000  }
0x9c: {  	[tilespmem:s24], [sflag:$0x1] =	stream.indirect.gather [spmem:s2], $0x40, s10, s28, $0xb8;
	[tilespmem:$0x1E440] =	vst v63  }
0x9d: {  	s21 =	sadd.s32 $0x80, s10  }
0x9e: {  	[tilespmem:s29], [sflag:$0x2] =	stream.indirect.gather [spmem:s2], $0x40, s21, s28, $0xb8;
	[tilespmem:$0x1E440] =	vst v63  }
0x9f: {  	s11 =	sadd.s32 $0x100, s10  }
0xa0: {  	[tilespmem:s30], [sflag:$0x3] =	stream.indirect.gather [spmem:s2], $0x40, s11, s28, $0xb8;
	[tilespmem:$0x1E440] =	vst v63  }
0xa1: {  	s13 =	sadd.s32 $0x180, s10  }
0xa2: {  	[tilespmem:s31], [sflag:$0x4] =	stream.indirect.gather [spmem:s2], $0x40, s13, s28, $0xb8;
	[tilespmem:$0x1E440] =	vst v63  }
0xa3: {  	_ =	swait.ge [sflag:s0], $0x2000  }
0xa4: {  	[sflag:s0] =	ssyncset.done $0x0  }
0xa5: {  	s19 =	sadd.s32 $0x1400, s10;
	[sflag:s0] =	ssyncadd.s32 $0xFFFFE000  }
0xa6: {  	[spmem:s3] =	stream.indirect.scatter.add.f32 [tilespmem:s24], [sflag:$0x5], $0x40, s19, s28, $0xb8;
	[tilespmem:$0x1E440] =	vst v63  }
0xa7: {  	_ =	swait.ge [sflag:s4], $0x2000  }
0xa8: {  	[sflag:s4] =	ssyncset.done $0x0  }
0xa9: {  	s22 =	sadd.s32 $0x1480, s10;
	[sflag:s4] =	ssyncadd.s32 $0xFFFFE000  }
0xaa: {  	[spmem:s3] =	stream.indirect.scatter.add.f32 [tilespmem:s29], [sflag:$0x6], $0x40, s22, s28, $0xb8;
	[tilespmem:$0x1E440] =	vst v63  }
0xab: {  	_ =	swait.ge [sflag:s7], $0x2000  }
0xac: {  	[sflag:s7] =	ssyncset.done $0x0  }
0xad: {  	s23 =	sadd.s32 $0x1500, s10;
	[sflag:s7] =	ssyncadd.s32 $0xFFFFE000  }
0xae: {  	[spmem:s3] =	stream.indirect.scatter.add.f32 [tilespmem:s30], [sflag:$0x7], $0x40, s23, s28, $0xb8;
	[tilespmem:$0x1E440] =	vst v63  }
0xaf: {  	_ =	swait.ge [sflag:s8], $0x2000  }
0xb0: {  	[sflag:s8] =	ssyncset.done $0x0  }
0xb1: {  	s10 =	sadd.s32 $0x1580, s10;
	[sflag:s8] =	ssyncadd.s32 $0xFFFFE000  }
0xb2: {  	[spmem:s3] =	stream.indirect.scatter.add.f32 [tilespmem:s31], [sflag:$0x8], $0x40, s10, s28, $0xb8;
	[tilespmem:$0x1E440] =	vst v63  }
0xb3: {  	_ =	swait.ge [sflag:s9], $0x2000  }
0xb4: {  	[sflag:s9] =	ssyncset.done $0x0  }
0xb5: {  	[sflag:s9] =	ssyncadd.s32 $0xFFFFE000  }
0xb6: {  	_ =	swait.ge [sflag:s16], $0x2000  }
0xb7: {  	[sflag:s16] =	ssyncset.done $0x0  }
0xb8: {  	s20 =	sadd.s32 $0x1, s20;
	[sflag:s16] =	ssyncadd.s32 $0xFFFFE000  }
0xb9: {  	p1 =	sne.s32 s20, $0x4;
	_ =	swait.ge [sflag:s17], $0x2000  }
.Ltmp1:
0xba: {  	[sflag:s17] =	ssyncset.done $0x0;
	(pc) =	sbr.rel @p1 .LBB2_2-.Ltmp1, $4  }
0xbb: {  	[sflag:s17] =	ssyncadd.s32 $0xFFFFE000  }
0xbc: {  	_ =	swait.ge [sflag:s18], $0x2000  }
0xbd: {  	[sflag:s18] =	ssyncset.done $0x0  }
0xbe: {  	[sflag:s18] =	ssyncadd.s32 $0xFFFFE000  }
0xbf: {  	[bflag:$0x0] =	sbarrier.arrive $0xFFFF  }
0xc0: {  	[tilespmem:s24], [sflag:$0x9] =	stream.linear.gather [spmem:s12], $0x2000, $0x38;
	[tilespmem:$0x1E440] =	vst v63  }
0xc1: {  	_ =	swait.ge [sflag:s25], $0x2000  }
0xc2: {  	s11 =	smov.u32 s12;
	[sflag:s25] =	ssyncset.done $0x0  }
0xc3: {  	s12 =	simm.s32 $0x0;
	s5 =	rddreg [dreg:$0xc];
	[sflag:s25] =	ssyncadd.s32 $0xFFFFE000  }
0xc4: {  	[hbm4b:s5+s12] =	stream.linear.scatter [tilespmem:s24], [sflag:$0x9], $0x2000, $0x38;
	[tilespmem:$0x1E440] =	vst v63  }
0xc5: {  	_ =	swait.ge [sflag:s25], $0x2000  }
0xc6: {  	[sflag:s25] =	ssyncset.done $0x0  }
0xc7: {  	s13 =	rddreg [dreg:$0xb];
	[sflag:s25] =	ssyncadd.s32 $0xFFFFE000  }
0xc8: {  	[tilespmem:s29], [sflag:$0x9] =	stream.linear.gather [spmem:s13], $0x2000, $0x38;
	[tilespmem:$0x1E440] =	vst v63  }
0xc9: {  	_ =	swait.ge [sflag:s25], $0x2000  }
0xca: {  	[sflag:s25] =	ssyncset.done $0x0  }
0xcb: {  	s21 =	rddreg [dreg:$0xd];
	[sflag:s25] =	ssyncadd.s32 $0xFFFFE000  }
0xcc: {  	[hbm4b:s21+s12] =	stream.linear.scatter [tilespmem:s29], [sflag:$0x9], $0x2000, $0x38;
	[tilespmem:$0x1E440] =	vst v63  }
0xcd: {  	_ =	swait.ge [sflag:s25], $0x2000  }
0xce: {  	[sflag:s25] =	ssyncset.done $0x0  }
0xcf: {  	s5 =	rddreg [dreg:$0x9];
	[sflag:s25] =	ssyncadd.s32 $0xFFFFE000  }
0xd0: {  	[tilespmem:s30], [sflag:$0x9] =	stream.linear.gather [spmem:s5], $0x2000, $0x38;
	[tilespmem:$0x1E440] =	vst v63  }
0xd1: {  	_ =	swait.ge [sflag:s25], $0x2000  }
0xd2: {  	[sflag:s25] =	ssyncset.done $0x0  }
0xd3: {  	s10 =	rddreg [dreg:$0xe];
	[sflag:s25] =	ssyncadd.s32 $0xFFFFE000  }
0xd4: {  	[hbm4b:s10+s12] =	stream.linear.scatter [tilespmem:s30], [sflag:$0x9], $0x2000, $0x38;
	[tilespmem:$0x1E440] =	vst v63  }
0xd5: {  	_ =	swait.ge [sflag:s25], $0x2000  }
0xd6: {  	[sflag:s25] =	ssyncset.done $0x0  }
0xd7: {  	s10 =	rddreg [dreg:$0xa];
	[sflag:s25] =	ssyncadd.s32 $0xFFFFE000  }
0xd8: {  	[tilespmem:s31], [sflag:$0x9] =	stream.linear.gather [spmem:s10], $0x2000, $0x38;
	[tilespmem:$0x1E440] =	vst v63  }
0xd9: {  	_ =	swait.ge [sflag:s25], $0x2000  }
0xda: {  	[sflag:s25] =	ssyncset.done $0x0  }
0xdb: {  	s19 =	rddreg [dreg:$0xf];
	[sflag:s25] =	ssyncadd.s32 $0xFFFFE000  }
0xdc: {  	[hbm4b:s19+s12] =	stream.linear.scatter [tilespmem:s31], [sflag:$0x9], $0x2000, $0x38;
	[tilespmem:$0x1E440] =	vst v63  }
0xdd: {  	_ =	swait.ge [sflag:s25], $0x2000  }
0xde: {  	[sflag:s25] =	ssyncset.done $0x0  }
0xdf: {  	[sflag:s25] =	ssyncadd.s32 $0xFFFFE000  }
0xe0: {  	[tilespmem:s24], [sflag:$0x9] =	stream.linear.gather [spmem:s14], $0x2000, $0x38;
	[tilespmem:$0x1E440] =	vst v63  }
0xe1: {  	_ =	swait.ge [sflag:s25], $0x2000  }
0xe2: {  	[sflag:s25] =	ssyncset.done $0x0  }
0xe3: {  	s22 =	rddreg [dreg:$0x10];
	[sflag:s25] =	ssyncadd.s32 $0xFFFFE000  }
0xe4: {  	[hbm4b:s22+s12] =	stream.linear.scatter [tilespmem:s24], [sflag:$0x9], $0x2000, $0x38;
	[tilespmem:$0x1E440] =	vst v63  }
0xe5: {  	_ =	swait.ge [sflag:s25], $0x2000  }
0xe6: {  	s20 =	rddreg [dreg:$0x14]  }
0xe7: {  	s23 =	rddreg [dreg:$0x11];
	s20 =	sadd.s32 $0x1, s20  }
0xe8: {  	p1 =	sne.s32 s20, s23  }
.Ltmp2:
0xe9: {  	_ = 	snop;
	(pc) =	sbr.rel @p1 .LBB2_1-.Ltmp2, $3  }
0xea: {  	_ =	sdelay $0x1  }
0xeb: {  	[sflag:s25] =	ssyncset.done $0x0  }
0xec: {  	[sflag:s25] =	ssyncadd.s32 $0xFFFFE000  }
0xed: {  	_ =	sfence.sel $0x180000  }
0xee: {  	[bflag:$0x0] =	sbarrier.arrive $0xFFFF  }
0xef: {  	_ =	strace $0x90000047  }
0xf0: {  	s0 =	stileid.u32;
	[bflag:$0x2] =	sbarrier.arrive $0xFFFF  }
0xf1: {  	p0 =	sne.s32 s0, $0x0;
	s0 =	rddreg [dreg:$0x5]  }
0xf2: {  	s0 =	sadd.s32 @!p0 $0x100000, s0  }
0xf3: {  	[sflag:s0] =	ssyncadd.tile.s32 @!p0 $0x1;
	_ =	shalt  }
.Lfunc_end2:
_tile_overlayer_lowered:
.L_overlay_start_2:
0xf4: {  	(tag) =	ssettag $0x2  }
0xf5: {  	s0 =	rddreg [dreg:$0x0];
	s2 =	stileid.u32  }
0xf6: {  	s1 =	rddreg [dreg:$0x1];
	p0 =	sne.s32 s2, $0x0  }
0xf7: {  	s3 =	rddreg [dreg:$0x2];
	[bflag:$0x3] =	sbarrier.arrive $0xFFFF;
	s2 =	simm.s32 @!p0 $0x1C09  }
0xf8: {  	[timem:s3], [sflag:s2] =	dma.local @!p0 [hbm:s0], s1  }
0xf9: {  	s0 =	simm.s32 @!p0 $0x9  }
0xfa: {  	_ =	swait.ge @!p0 [sflag:s0], s1  }
0xfb: {  	s1 =	ssub.s32 @!p0 $0x0, s1;
	[sflag:s0] =	ssyncset.done @!p0 $0x0  }
0xfc: {  	[sflag:s0] =	ssyncadd.s32 @!p0 s1  }
0xfd: {  	[bflag:$0x3] =	sbarrier.arrive $0xFFFF  }
0xfe: {  	_ =	shalt  }

</sc_bundles>
